<compile_context>
chip_gen: v7x
topology: tpu7x:2x2x1
jax: 0.10.2.dev20260603
libtpu: 0.0.44.dev20260713+nightly
codegen_flags: <defaults>
</compile_context>

<pallas_src>
import functools
import jax
import jax.numpy as jnp
from jax import lax
from jax.experimental import pallas as pl
from jax.experimental.pallas import tpu as pltpu
from jax.experimental.pallas import tpu_sc as plsc

B = 4096
SEQ = 200
D = 64
DP = 128
TOTAL = B * SEQ

NC = 2
NS = 16
NW = NC * NS
ROWS_PER_W = TOTAL // NW
SUB = 5
CHUNK = SUB * 128
NCH = ROWS_PER_W // CHUNK
BATCH_PER_W = B // NW


def _body(task0_hbm, uni_hbm, ttab_hbm, utab_hbm, out_hbm,
          idx_all, rows0, rows1, trow_v, didx_v, gs0, gs1, ss0, ss1):
    rows = (rows0, rows1)
    gs = (gs0, gs1)
    ss = (ss0, ss1)
    wid = lax.axis_index("s") * NC + lax.axis_index("c")
    r0 = wid * ROWS_PER_W

    pltpu.sync_copy(uni_hbm.at[pl.ds(r0, ROWS_PER_W)], idx_all)

    def fire_gather(b, c):
        for j in range(SUB):
            off = pl.multiple_of(c * CHUNK + j * 128, 128)
            pltpu.async_copy(
                utab_hbm.at[idx_all.at[pl.ds(off, 128)]],
                rows[b].at[pl.ds(j * 128, 128)], gs[b])

    def wait_gather(b):
        for j in range(SUB):
            pltpu.make_async_copy(
                utab_hbm.at[idx_all.at[pl.ds(j * 128, 128)]],
                rows[b].at[pl.ds(j * 128, 128)], gs[b]).wait()

    def fire_store(b, c):
        r = pl.multiple_of(r0 + c * CHUNK, CHUNK)
        pltpu.async_copy(rows[b],
                         out_hbm.at[pl.ds(r, CHUNK), pl.ds(0, D)], ss[b])

    def wait_store(b):
        pltpu.make_async_copy(
            rows[b], out_hbm.at[pl.ds(0, CHUNK), pl.ds(0, D)], ss[b]).wait()

    fire_gather(0, 0)
    fire_gather(1, 1)
    wait_gather(0)
    fire_store(0, 0)

    def pair(i, carry):
        for b in range(2):
            c = 2 * i + b
            wait_store(b)
            fire_gather(b, c)
            wait_gather(1 - b)
            fire_store(1 - b, c - 1)
        return carry

    lax.fori_loop(1, NCH // 2, pair, 0)

    wait_gather(1)
    fire_store(1, NCH - 1)
    wait_store(0)
    wait_store(1)

    b0 = wid * BATCH_PER_W
    pltpu.sync_copy(task0_hbm.at[pl.ds(b0, BATCH_PER_W)],
                    idx_all.at[pl.ds(0, BATCH_PER_W)])
    pltpu.async_copy(ttab_hbm.at[idx_all.at[pl.ds(0, BATCH_PER_W)]],
                     trow_v, gs0).wait()
    for j in range(BATCH_PER_W // 16):
        didx_v[pl.ds(j * 16, 16)] = (
            lax.iota(jnp.int32, 16) + (b0 + j * 16)) * SEQ
    pltpu.async_copy(trow_v, out_hbm.at[didx_v], gs0).wait()


_sc_call = functools.partial(
    pl.kernel,
    out_type=jax.ShapeDtypeStruct((TOTAL, DP), jnp.float32),
    mesh=plsc.VectorSubcoreMesh(core_axis_name="c", subcore_axis_name="s"),
    compiler_params=pltpu.CompilerParams(use_tc_tiling_on_sc=False),
    scratch_types=[
        pltpu.VMEM((ROWS_PER_W,), jnp.int32),
        pltpu.VMEM((CHUNK, D), jnp.float32),
        pltpu.VMEM((CHUNK, D), jnp.float32),
        pltpu.VMEM((BATCH_PER_W, DP), jnp.float32),
        pltpu.VMEM((BATCH_PER_W,), jnp.int32),
        pltpu.SemaphoreType.DMA,
        pltpu.SemaphoreType.DMA,
        pltpu.SemaphoreType.DMA,
        pltpu.SemaphoreType.DMA,
    ],
)(_body)


@jax.jit
def kernel(task, uni, task_table, uni_table):
    task0 = task[:, 0].astype(jnp.int32)
    uni2 = uni.reshape(TOTAL).astype(jnp.int32) * 2
    utab_view = jnp.pad(uni_table, ((0, 0), (0, DP - D))).reshape(2 * 1000000, D)
    ttab_p = jnp.pad(task_table, ((0, 0), (0, DP - D)))
    out = _sc_call(task0, uni2, ttab_p, utab_view)
    return out[:, :D].reshape(B, SEQ, D)

# --- scband reference (transcript-rebuilt; emitter-appended) ---
"""Pipeline reference for scband-embedding-33681133535925 (READ-ONLY COPY).

The authoritative reference and input builder live on the scoring server;
editing this copy changes nothing except your own understanding.
"""

import jax, jax.numpy as jnp
import numpy as np

TASK_SIZE = 16
D_MODEL = 64
WORD_SIZE = 1000000
BATCH = 4096
SEQ = 200

def setup_inputs(seed: int = 0) -> dict:
    key = jax.random.key(seed)
    k_task, k_uni, k_tw, k_uw = jax.random.split(key, 4)
    task = jax.random.randint(k_task, (BATCH, SEQ), 0, TASK_SIZE, dtype=jnp.int64 if jax.config.read('jax_enable_x64') else jnp.int32)
    uni = jax.random.randint(k_uni, (BATCH, SEQ), 0, WORD_SIZE, dtype=jnp.int64 if jax.config.read('jax_enable_x64') else jnp.int32)
    task_table = jax.random.normal(k_tw, (TASK_SIZE, D_MODEL), dtype=jnp.float32)
    uni_table = jax.random.normal(k_uw, (WORD_SIZE, D_MODEL), dtype=jnp.float32)
    return {"task": task, "uni": uni, "task_table": task_table, "uni_table": uni_table}

def reference(task, uni, task_table, uni_table):
    # y_task = self.task_embed(task[:, 0:1])  -> [B, 1, d_model]
    y_task = jnp.take(task_table, task[:, 0:1], axis=0)
    # y = self.uni_embed(uni[:, 1:])          -> [B, L-1, d_model]
    y = jnp.take(uni_table, uni[:, 1:], axis=0)
    # bi1/bi2 are None and self.F is None (embed_dim == d_model)
    # y = torch.cat([y_task, y], dim=1)       -> [B, L, d_model]
    y = jnp.concatenate([y_task, y], axis=1)
    return y

if __name__ == "__main__":
    import jax
    _d = setup_inputs()
    print(jax.jit(kernel)(*tuple(_d.values())))

</pallas_src>

<mosaic_0001>
#map = affine_map<(d0, d1) -> (0)>
#map1 = affine_map<(d0, d1) -> (0, 0)>
module attributes {stable_mosaic.version = 14 : i64} {
  func.func @_body(%arg0: i32, %arg1: i32, %arg2: memref<4096xi32, #tpu.memory_space<hbm>>, %arg3: memref<819200xi32, #tpu.memory_space<hbm>>, %arg4: memref<16x128xf32, #tpu.memory_space<hbm>>, %arg5: memref<2000000x64xf32, #tpu.memory_space<hbm>>, %arg6: memref<819200x128xf32, #tpu.memory_space<hbm>>, %arg7: memref<25600xi32, #tpu.memory_space<vmem>>, %arg8: memref<640x64xf32, #tpu.memory_space<vmem>>, %arg9: memref<640x64xf32, #tpu.memory_space<vmem>>, %arg10: memref<128x128xf32, #tpu.memory_space<vmem>>, %arg11: memref<128xi32, #tpu.memory_space<vmem>>, %arg12: memref<!tpu.dma_semaphore, #tpu.memory_space<semaphore_mem>>, %arg13: memref<!tpu.dma_semaphore, #tpu.memory_space<semaphore_mem>>, %arg14: memref<!tpu.dma_semaphore, #tpu.memory_space<semaphore_mem>>, %arg15: memref<!tpu.dma_semaphore, #tpu.memory_space<semaphore_mem>>) attributes {dimension_semantics = [#tpu.dimension_semantics<core_parallel>, #tpu.dimension_semantics<subcore_parallel>], iteration_bounds = array<i64: 2, 16>, scalar_prefetch = 0 : i64, scratch_operands = 9 : i64, tpu.core_type = #tpu.core_type<sc_vector_subcore>, window_params = [{transform_indices = #map}, {transform_indices = #map}, {transform_indices = #map1}, {transform_indices = #map1}, {transform_indices = #map1}]} {
    %mul3A = arith.constant 2 : i32
    %mul3A_0 = arith.muli %arg1, %mul3A : i32
    %add3A = arith.addi %mul3A_0, %arg0 : i32
    %mul3A_1 = arith.constant 25600 : i32
    %mul3A_2 = arith.muli %add3A, %mul3A_1 : i32
    "tpu.region"() ({
      %run_scoped3A = tpu.sem_alloc : memref<!tpu.dma_semaphore, #tpu.memory_space<semaphore_mem>>
      %dma_start3A_313 = tpu.memref_slice %arg3[%mul3A_2] : memref<819200xi32, #tpu.memory_space<hbm>> -> memref<25600xi32, #tpu.memory_space<hbm>>
      %dma_start3A_314 = tpu.memref_slice %arg3[%mul3A_2] : memref<819200xi32, #tpu.memory_space<hbm>> -> memref<25600xi32, #tpu.memory_space<hbm>>
      tpu.enqueue_dma source(%dma_start3A_314 : memref<25600xi32, #tpu.memory_space<hbm>>) target(%arg7 : memref<25600xi32, #tpu.memory_space<vmem>>) target_semaphore(%run_scoped3A : memref<!tpu.dma_semaphore, #tpu.memory_space<semaphore_mem>>)
      %dma_wait3A_315 = tpu.memref_slice %arg3[%mul3A_2] : memref<819200xi32, #tpu.memory_space<hbm>> -> memref<25600xi32, #tpu.memory_space<hbm>>
      %dma_wait3A_316 = tpu.memref_slice %arg3[%mul3A_2] : memref<819200xi32, #tpu.memory_space<hbm>> -> memref<25600xi32, #tpu.memory_space<hbm>>
      tpu.wait_dma2 semaphore(%run_scoped3A : memref<!tpu.dma_semaphore, #tpu.memory_space<semaphore_mem>>) src(%dma_wait3A_316 : memref<25600xi32, #tpu.memory_space<hbm>>) dst(%arg7 : memref<25600xi32, #tpu.memory_space<vmem>>)
      tpu.yield
    }) : () -> ()
    %multiple_of3A = arith.constant 0 : i32
    %multiple_of3A_3 = tpu.assume_multiple %multiple_of3A, 128 : i32
    %dma_start3A = arith.constant 0 : i32
    %dma_start3A_4 = arith.constant 0 : i32
    %dma_start3A_5 = tpu.memref_slice %arg8[%dma_start3A, %dma_start3A_4] : memref<640x64xf32, #tpu.memory_space<vmem>> -> memref<128x64xf32, #tpu.memory_space<vmem>>
    %dma_start3A_6 = tpu.memref_slice %arg7[%multiple_of3A_3] : memref<25600xi32, #tpu.memory_space<vmem>> -> memref<128xi32, #tpu.memory_space<vmem>>
    %dma_start3A_7 = arith.constant 0 : i32
    %dma_start3A_8 = arith.constant 0 : i32
    %dma_start3A_9 = tpu.memref_slice %arg5[%dma_start3A_7, %dma_start3A_8] : memref<2000000x64xf32, #tpu.memory_space<hbm>> -> memref<2000000x64xf32, #tpu.memory_space<hbm>>
    tpu.enqueue_indirect_dma source(%dma_start3A_9 : memref<2000000x64xf32, #tpu.memory_space<hbm>>) target(%dma_start3A_5 : memref<128x64xf32, #tpu.memory_space<vmem>>) offsets(%dma_start3A_6 : memref<128xi32, #tpu.memory_space<vmem>>) semaphore(%arg12 : memref<!tpu.dma_semaphore, #tpu.memory_space<semaphore_mem>>)
    %multiple_of3A_10 = arith.constant 128 : i32
    %multiple_of3A_11 = tpu.assume_multiple %multiple_of3A_10, 128 : i32
    %dma_start3A_12 = arith.constant 128 : i32
    %dma_start3A_13 = arith.constant 0 : i32
    %dma_start3A_14 = tpu.memref_slice %arg8[%dma_start3A_12, %dma_start3A_13] : memref<640x64xf32, #tpu.memory_space<vmem>> -> memref<128x64xf32, #tpu.memory_space<vmem>>
    %dma_start3A_15 = tpu.memref_slice %arg7[%multiple_of3A_11] : memref<25600xi32, #tpu.memory_space<vmem>> -> memref<128xi32, #tpu.memory_space<vmem>>
    %dma_start3A_16 = arith.constant 0 : i32
    %dma_start3A_17 = arith.constant 0 : i32
    %dma_start3A_18 = tpu.memref_slice %arg5[%dma_start3A_16, %dma_start3A_17] : memref<2000000x64xf32, #tpu.memory_space<hbm>> -> memref<2000000x64xf32, #tpu.memory_space<hbm>>
    tpu.enqueue_indirect_dma source(%dma_start3A_18 : memref<2000000x64xf32, #tpu.memory_space<hbm>>) target(%dma_start3A_14 : memref<128x64xf32, #tpu.memory_space<vmem>>) offsets(%dma_start3A_15 : memref<128xi32, #tpu.memory_space<vmem>>) semaphore(%arg12 : memref<!tpu.dma_semaphore, #tpu.memory_space<semaphore_mem>>)
    %multiple_of3A_19 = arith.constant 256 : i32
    %multiple_of3A_20 = tpu.assume_multiple %multiple_of3A_19, 128 : i32
    %dma_start3A_21 = arith.constant 256 : i32
    %dma_start3A_22 = arith.constant 0 : i32
    %dma_start3A_23 = tpu.memref_slice %arg8[%dma_start3A_21, %dma_start3A_22] : memref<640x64xf32, #tpu.memory_space<vmem>> -> memref<128x64xf32, #tpu.memory_space<vmem>>
    %dma_start3A_24 = tpu.memref_slice %arg7[%multiple_of3A_20] : memref<25600xi32, #tpu.memory_space<vmem>> -> memref<128xi32, #tpu.memory_space<vmem>>
    %dma_start3A_25 = arith.constant 0 : i32
    %dma_start3A_26 = arith.constant 0 : i32
    %dma_start3A_27 = tpu.memref_slice %arg5[%dma_start3A_25, %dma_start3A_26] : memref<2000000x64xf32, #tpu.memory_space<hbm>> -> memref<2000000x64xf32, #tpu.memory_space<hbm>>
    tpu.enqueue_indirect_dma source(%dma_start3A_27 : memref<2000000x64xf32, #tpu.memory_space<hbm>>) target(%dma_start3A_23 : memref<128x64xf32, #tpu.memory_space<vmem>>) offsets(%dma_start3A_24 : memref<128xi32, #tpu.memory_space<vmem>>) semaphore(%arg12 : memref<!tpu.dma_semaphore, #tpu.memory_space<semaphore_mem>>)
    %multiple_of3A_28 = arith.constant 384 : i32
    %multiple_of3A_29 = tpu.assume_multiple %multiple_of3A_28, 128 : i32
    %dma_start3A_30 = arith.constant 384 : i32
    %dma_start3A_31 = arith.constant 0 : i32
    %dma_start3A_32 = tpu.memref_slice %arg8[%dma_start3A_30, %dma_start3A_31] : memref<640x64xf32, #tpu.memory_space<vmem>> -> memref<128x64xf32, #tpu.memory_space<vmem>>
    %dma_start3A_33 = tpu.memref_slice %arg7[%multiple_of3A_29] : memref<25600xi32, #tpu.memory_space<vmem>> -> memref<128xi32, #tpu.memory_space<vmem>>
    %dma_start3A_34 = arith.constant 0 : i32
    %dma_start3A_35 = arith.constant 0 : i32
    %dma_start3A_36 = tpu.memref_slice %arg5[%dma_start3A_34, %dma_start3A_35] : memref<2000000x64xf32, #tpu.memory_space<hbm>> -> memref<2000000x64xf32, #tpu.memory_space<hbm>>
    tpu.enqueue_indirect_dma source(%dma_start3A_36 : memref<2000000x64xf32, #tpu.memory_space<hbm>>) target(%dma_start3A_32 : memref<128x64xf32, #tpu.memory_space<vmem>>) offsets(%dma_start3A_33 : memref<128xi32, #tpu.memory_space<vmem>>) semaphore(%arg12 : memref<!tpu.dma_semaphore, #tpu.memory_space<semaphore_mem>>)
    %multiple_of3A_37 = arith.constant 512 : i32
    %multiple_of3A_38 = tpu.assume_multiple %multiple_of3A_37, 128 : i32
    %dma_start3A_39 = arith.constant 512 : i32
    %dma_start3A_40 = arith.constant 0 : i32
    %dma_start3A_41 = tpu.memref_slice %arg8[%dma_start3A_39, %dma_start3A_40] : memref<640x64xf32, #tpu.memory_space<vmem>> -> memref<128x64xf32, #tpu.memory_space<vmem>>
    %dma_start3A_42 = tpu.memref_slice %arg7[%multiple_of3A_38] : memref<25600xi32, #tpu.memory_space<vmem>> -> memref<128xi32, #tpu.memory_space<vmem>>
    %dma_start3A_43 = arith.constant 0 : i32
    %dma_start3A_44 = arith.constant 0 : i32
    %dma_start3A_45 = tpu.memref_slice %arg5[%dma_start3A_43, %dma_start3A_44] : memref<2000000x64xf32, #tpu.memory_space<hbm>> -> memref<2000000x64xf32, #tpu.memory_space<hbm>>
    tpu.enqueue_indirect_dma source(%dma_start3A_45 : memref<2000000x64xf32, #tpu.memory_space<hbm>>) target(%dma_start3A_41 : memref<128x64xf32, #tpu.memory_space<vmem>>) offsets(%dma_start3A_42 : memref<128xi32, #tpu.memory_space<vmem>>) semaphore(%arg12 : memref<!tpu.dma_semaphore, #tpu.memory_space<semaphore_mem>>)
    %multiple_of3A_46 = arith.constant 640 : i32
    %multiple_of3A_47 = tpu.assume_multiple %multiple_of3A_46, 128 : i32
    %dma_start3A_48 = arith.constant 0 : i32
    %dma_start3A_49 = arith.constant 0 : i32
    %dma_start3A_50 = tpu.memref_slice %arg9[%dma_start3A_48, %dma_start3A_49] : memref<640x64xf32, #tpu.memory_space<vmem>> -> memref<128x64xf32, #tpu.memory_space<vmem>>
    %dma_start3A_51 = tpu.memref_slice %arg7[%multiple_of3A_47] : memref<25600xi32, #tpu.memory_space<vmem>> -> memref<128xi32, #tpu.memory_space<vmem>>
    %dma_start3A_52 = arith.constant 0 : i32
    %dma_start3A_53 = arith.constant 0 : i32
    %dma_start3A_54 = tpu.memref_slice %arg5[%dma_start3A_52, %dma_start3A_53] : memref<2000000x64xf32, #tpu.memory_space<hbm>> -> memref<2000000x64xf32, #tpu.memory_space<hbm>>
    tpu.enqueue_indirect_dma source(%dma_start3A_54 : memref<2000000x64xf32, #tpu.memory_space<hbm>>) target(%dma_start3A_50 : memref<128x64xf32, #tpu.memory_space<vmem>>) offsets(%dma_start3A_51 : memref<128xi32, #tpu.memory_space<vmem>>) semaphore(%arg13 : memref<!tpu.dma_semaphore, #tpu.memory_space<semaphore_mem>>)
    %multiple_of3A_55 = arith.constant 768 : i32
    %multiple_of3A_56 = tpu.assume_multiple %multiple_of3A_55, 128 : i32
    %dma_start3A_57 = arith.constant 128 : i32
    %dma_start3A_58 = arith.constant 0 : i32
    %dma_start3A_59 = tpu.memref_slice %arg9[%dma_start3A_57, %dma_start3A_58] : memref<640x64xf32, #tpu.memory_space<vmem>> -> memref<128x64xf32, #tpu.memory_space<vmem>>
    %dma_start3A_60 = tpu.memref_slice %arg7[%multiple_of3A_56] : memref<25600xi32, #tpu.memory_space<vmem>> -> memref<128xi32, #tpu.memory_space<vmem>>
    %dma_start3A_61 = arith.constant 0 : i32
    %dma_start3A_62 = arith.constant 0 : i32
    %dma_start3A_63 = tpu.memref_slice %arg5[%dma_start3A_61, %dma_start3A_62] : memref<2000000x64xf32, #tpu.memory_space<hbm>> -> memref<2000000x64xf32, #tpu.memory_space<hbm>>
    tpu.enqueue_indirect_dma source(%dma_start3A_63 : memref<2000000x64xf32, #tpu.memory_space<hbm>>) target(%dma_start3A_59 : memref<128x64xf32, #tpu.memory_space<vmem>>) offsets(%dma_start3A_60 : memref<128xi32, #tpu.memory_space<vmem>>) semaphore(%arg13 : memref<!tpu.dma_semaphore, #tpu.memory_space<semaphore_mem>>)
    %multiple_of3A_64 = arith.constant 896 : i32
    %multiple_of3A_65 = tpu.assume_multiple %multiple_of3A_64, 128 : i32
    %dma_start3A_66 = arith.constant 256 : i32
    %dma_start3A_67 = arith.constant 0 : i32
    %dma_start3A_68 = tpu.memref_slice %arg9[%dma_start3A_66, %dma_start3A_67] : memref<640x64xf32, #tpu.memory_space<vmem>> -> memref<128x64xf32, #tpu.memory_space<vmem>>
    %dma_start3A_69 = tpu.memref_slice %arg7[%multiple_of3A_65] : memref<25600xi32, #tpu.memory_space<vmem>> -> memref<128xi32, #tpu.memory_space<vmem>>
    %dma_start3A_70 = arith.constant 0 : i32
    %dma_start3A_71 = arith.constant 0 : i32
    %dma_start3A_72 = tpu.memref_slice %arg5[%dma_start3A_70, %dma_start3A_71] : memref<2000000x64xf32, #tpu.memory_space<hbm>> -> memref<2000000x64xf32, #tpu.memory_space<hbm>>
    tpu.enqueue_indirect_dma source(%dma_start3A_72 : memref<2000000x64xf32, #tpu.memory_space<hbm>>) target(%dma_start3A_68 : memref<128x64xf32, #tpu.memory_space<vmem>>) offsets(%dma_start3A_69 : memref<128xi32, #tpu.memory_space<vmem>>) semaphore(%arg13 : memref<!tpu.dma_semaphore, #tpu.memory_space<semaphore_mem>>)
    %multiple_of3A_73 = arith.constant 1024 : i32
    %multiple_of3A_74 = tpu.assume_multiple %multiple_of3A_73, 128 : i32
    %dma_start3A_75 = arith.constant 384 : i32
    %dma_start3A_76 = arith.constant 0 : i32
    %dma_start3A_77 = tpu.memref_slice %arg9[%dma_start3A_75, %dma_start3A_76] : memref<640x64xf32, #tpu.memory_space<vmem>> -> memref<128x64xf32, #tpu.memory_space<vmem>>
    %dma_start3A_78 = tpu.memref_slice %arg7[%multiple_of3A_74] : memref<25600xi32, #tpu.memory_space<vmem>> -> memref<128xi32, #tpu.memory_space<vmem>>
    %dma_start3A_79 = arith.constant 0 : i32
    %dma_start3A_80 = arith.constant 0 : i32
    %dma_start3A_81 = tpu.memref_slice %arg5[%dma_start3A_79, %dma_start3A_80] : memref<2000000x64xf32, #tpu.memory_space<hbm>> -> memref<2000000x64xf32, #tpu.memory_space<hbm>>
    tpu.enqueue_indirect_dma source(%dma_start3A_81 : memref<2000000x64xf32, #tpu.memory_space<hbm>>) target(%dma_start3A_77 : memref<128x64xf32, #tpu.memory_space<vmem>>) offsets(%dma_start3A_78 : memref<128xi32, #tpu.memory_space<vmem>>) semaphore(%arg13 : memref<!tpu.dma_semaphore, #tpu.memory_space<semaphore_mem>>)
    %multiple_of3A_82 = arith.constant 1152 : i32
    %multiple_of3A_83 = tpu.assume_multiple %multiple_of3A_82, 128 : i32
    %dma_start3A_84 = arith.constant 512 : i32
    %dma_start3A_85 = arith.constant 0 : i32
    %dma_start3A_86 = tpu.memref_slice %arg9[%dma_start3A_84, %dma_start3A_85] : memref<640x64xf32, #tpu.memory_space<vmem>> -> memref<128x64xf32, #tpu.memory_space<vmem>>
    %dma_start3A_87 = tpu.memref_slice %arg7[%multiple_of3A_83] : memref<25600xi32, #tpu.memory_space<vmem>> -> memref<128xi32, #tpu.memory_space<vmem>>
    %dma_start3A_88 = arith.constant 0 : i32
    %dma_start3A_89 = arith.constant 0 : i32
    %dma_start3A_90 = tpu.memref_slice %arg5[%dma_start3A_88, %dma_start3A_89] : memref<2000000x64xf32, #tpu.memory_space<hbm>> -> memref<2000000x64xf32, #tpu.memory_space<hbm>>
    tpu.enqueue_indirect_dma source(%dma_start3A_90 : memref<2000000x64xf32, #tpu.memory_space<hbm>>) target(%dma_start3A_86 : memref<128x64xf32, #tpu.memory_space<vmem>>) offsets(%dma_start3A_87 : memref<128xi32, #tpu.memory_space<vmem>>) semaphore(%arg13 : memref<!tpu.dma_semaphore, #tpu.memory_space<semaphore_mem>>)
    %dma_wait3A = arith.constant 0 : i32
    %dma_wait3A_91 = arith.constant 0 : i32
    %dma_wait3A_92 = tpu.memref_slice %arg8[%dma_wait3A, %dma_wait3A_91] : memref<640x64xf32, #tpu.memory_space<vmem>> -> memref<128x64xf32, #tpu.memory_space<vmem>>
    %dma_wait3A_93 = arith.constant 0 : i32
    %dma_wait3A_94 = tpu.memref_slice %arg7[%dma_wait3A_93] : memref<25600xi32, #tpu.memory_space<vmem>> -> memref<128xi32, #tpu.memory_space<vmem>>
    %dma_wait3A_95 = arith.constant 0 : i32
    %dma_wait3A_96 = arith.constant 0 : i32
    %dma_wait3A_97 = tpu.memref_slice %arg5[%dma_wait3A_95, %dma_wait3A_96] : memref<2000000x64xf32, #tpu.memory_space<hbm>> -> memref<2000000x64xf32, #tpu.memory_space<hbm>>
    tpu.wait_indirect_dma semaphore(%arg12 : memref<!tpu.dma_semaphore, #tpu.memory_space<semaphore_mem>>) src(%dma_wait3A_97 : memref<2000000x64xf32, #tpu.memory_space<hbm>>) dst(%dma_wait3A_92 : memref<128x64xf32, #tpu.memory_space<vmem>>)
    %dma_wait3A_98 = arith.constant 128 : i32
    %dma_wait3A_99 = arith.constant 0 : i32
    %dma_wait3A_100 = tpu.memref_slice %arg8[%dma_wait3A_98, %dma_wait3A_99] : memref<640x64xf32, #tpu.memory_space<vmem>> -> memref<128x64xf32, #tpu.memory_space<vmem>>
    %dma_wait3A_101 = arith.constant 128 : i32
    %dma_wait3A_102 = tpu.memref_slice %arg7[%dma_wait3A_101] : memref<25600xi32, #tpu.memory_space<vmem>> -> memref<128xi32, #tpu.memory_space<vmem>>
    %dma_wait3A_103 = arith.constant 0 : i32
    %dma_wait3A_104 = arith.constant 0 : i32
    %dma_wait3A_105 = tpu.memref_slice %arg5[%dma_wait3A_103, %dma_wait3A_104] : memref<2000000x64xf32, #tpu.memory_space<hbm>> -> memref<2000000x64xf32, #tpu.memory_space<hbm>>
    tpu.wait_indirect_dma semaphore(%arg12 : memref<!tpu.dma_semaphore, #tpu.memory_space<semaphore_mem>>) src(%dma_wait3A_105 : memref<2000000x64xf32, #tpu.memory_space<hbm>>) dst(%dma_wait3A_100 : memref<128x64xf32, #tpu.memory_space<vmem>>)
    %dma_wait3A_106 = arith.constant 256 : i32
    %dma_wait3A_107 = arith.constant 0 : i32
    %dma_wait3A_108 = tpu.memref_slice %arg8[%dma_wait3A_106, %dma_wait3A_107] : memref<640x64xf32, #tpu.memory_space<vmem>> -> memref<128x64xf32, #tpu.memory_space<vmem>>
    %dma_wait3A_109 = arith.constant 256 : i32
    %dma_wait3A_110 = tpu.memref_slice %arg7[%dma_wait3A_109] : memref<25600xi32, #tpu.memory_space<vmem>> -> memref<128xi32, #tpu.memory_space<vmem>>
    %dma_wait3A_111 = arith.constant 0 : i32
    %dma_wait3A_112 = arith.constant 0 : i32
    %dma_wait3A_113 = tpu.memref_slice %arg5[%dma_wait3A_111, %dma_wait3A_112] : memref<2000000x64xf32, #tpu.memory_space<hbm>> -> memref<2000000x64xf32, #tpu.memory_space<hbm>>
    tpu.wait_indirect_dma semaphore(%arg12 : memref<!tpu.dma_semaphore, #tpu.memory_space<semaphore_mem>>) src(%dma_wait3A_113 : memref<2000000x64xf32, #tpu.memory_space<hbm>>) dst(%dma_wait3A_108 : memref<128x64xf32, #tpu.memory_space<vmem>>)
    %dma_wait3A_114 = arith.constant 384 : i32
    %dma_wait3A_115 = arith.constant 0 : i32
    %dma_wait3A_116 = tpu.memref_slice %arg8[%dma_wait3A_114, %dma_wait3A_115] : memref<640x64xf32, #tpu.memory_space<vmem>> -> memref<128x64xf32, #tpu.memory_space<vmem>>
    %dma_wait3A_117 = arith.constant 384 : i32
    %dma_wait3A_118 = tpu.memref_slice %arg7[%dma_wait3A_117] : memref<25600xi32, #tpu.memory_space<vmem>> -> memref<128xi32, #tpu.memory_space<vmem>>
    %dma_wait3A_119 = arith.constant 0 : i32
    %dma_wait3A_120 = arith.constant 0 : i32
    %dma_wait3A_121 = tpu.memref_slice %arg5[%dma_wait3A_119, %dma_wait3A_120] : memref<2000000x64xf32, #tpu.memory_space<hbm>> -> memref<2000000x64xf32, #tpu.memory_space<hbm>>
    tpu.wait_indirect_dma semaphore(%arg12 : memref<!tpu.dma_semaphore, #tpu.memory_space<semaphore_mem>>) src(%dma_wait3A_121 : memref<2000000x64xf32, #tpu.memory_space<hbm>>) dst(%dma_wait3A_116 : memref<128x64xf32, #tpu.memory_space<vmem>>)
    %dma_wait3A_122 = arith.constant 512 : i32
    %dma_wait3A_123 = arith.constant 0 : i32
    %dma_wait3A_124 = tpu.memref_slice %arg8[%dma_wait3A_122, %dma_wait3A_123] : memref<640x64xf32, #tpu.memory_space<vmem>> -> memref<128x64xf32, #tpu.memory_space<vmem>>
    %dma_wait3A_125 = arith.constant 512 : i32
    %dma_wait3A_126 = tpu.memref_slice %arg7[%dma_wait3A_125] : memref<25600xi32, #tpu.memory_space<vmem>> -> memref<128xi32, #tpu.memory_space<vmem>>
    %dma_wait3A_127 = arith.constant 0 : i32
    %dma_wait3A_128 = arith.constant 0 : i32
    %dma_wait3A_129 = tpu.memref_slice %arg5[%dma_wait3A_127, %dma_wait3A_128] : memref<2000000x64xf32, #tpu.memory_space<hbm>> -> memref<2000000x64xf32, #tpu.memory_space<hbm>>
    tpu.wait_indirect_dma semaphore(%arg12 : memref<!tpu.dma_semaphore, #tpu.memory_space<semaphore_mem>>) src(%dma_wait3A_129 : memref<2000000x64xf32, #tpu.memory_space<hbm>>) dst(%dma_wait3A_124 : memref<128x64xf32, #tpu.memory_space<vmem>>)
    %add3A_130 = arith.constant 0 : i32
    %add3A_131 = arith.addi %mul3A_2, %add3A_130 : i32
    %multiple_of3A_132 = tpu.assume_multiple %add3A_131, 640 : i32
    %dma_start3A_133 = arith.constant 0 : i32
    %dma_start3A_134 = tpu.memref_slice %arg6[%multiple_of3A_132, %dma_start3A_133] : memref<819200x128xf32, #tpu.memory_space<hbm>> -> memref<640x64xf32, #tpu.memory_space<hbm>>
    %dma_start3A_135 = arith.constant 0 : i32
    %dma_start3A_136 = tpu.memref_slice %arg6[%multiple_of3A_132, %dma_start3A_135] : memref<819200x128xf32, #tpu.memory_space<hbm>> -> memref<640x64xf32, #tpu.memory_space<hbm>>
    tpu.enqueue_dma source(%arg8 : memref<640x64xf32, #tpu.memory_space<vmem>>) target(%dma_start3A_136 : memref<640x64xf32, #tpu.memory_space<hbm>>) target_semaphore(%arg14 : memref<!tpu.dma_semaphore, #tpu.memory_space<semaphore_mem>>)
    %scan3A = arith.constant 0 : i32
    %scan3A_137 = arith.constant 1 : i32
    %scan3A_138 = arith.constant 19 : i32
    %scan3A_139 = arith.addi %scan3A_137, %scan3A_138 : i32
    %scan3A_140 = arith.constant 1 : i32
    scf.for %scan3A_313 = %scan3A_137 to %scan3A_139 step %scan3A_140  : i32 {
      %mul3A_314 = arith.constant 2 : i32
      %mul3A_315 = arith.muli %mul3A_314, %scan3A_313 : i32
      %add3A_316 = arith.constant 0 : i32
      %add3A_317 = arith.addi %mul3A_315, %add3A_316 : i32
      %dma_wait3A_318 = arith.constant 0 : i32
      %dma_wait3A_319 = arith.constant 0 : i32
      %dma_wait3A_320 = tpu.memref_slice %arg6[%dma_wait3A_318, %dma_wait3A_319] : memref<819200x128xf32, #tpu.memory_space<hbm>> -> memref<640x64xf32, #tpu.memory_space<hbm>>
      %dma_wait3A_321 = arith.constant 0 : i32
      %dma_wait3A_322 = arith.constant 0 : i32
      %dma_wait3A_323 = tpu.memref_slice %arg6[%dma_wait3A_321, %dma_wait3A_322] : memref<819200x128xf32, #tpu.memory_space<hbm>> -> memref<640x64xf32, #tpu.memory_space<hbm>>
      tpu.wait_dma2 semaphore(%arg14 : memref<!tpu.dma_semaphore, #tpu.memory_space<semaphore_mem>>) src(%arg8 : memref<640x64xf32, #tpu.memory_space<vmem>>) dst(%dma_wait3A_323 : memref<640x64xf32, #tpu.memory_space<hbm>>)
      %mul3A_324 = arith.constant 640 : i32
      %mul3A_325 = arith.muli %add3A_317, %mul3A_324 : i32
      %add3A_326 = arith.constant 0 : i32
      %add3A_327 = arith.addi %mul3A_325, %add3A_326 : i32
      %multiple_of3A_328 = tpu.assume_multiple %add3A_327, 128 : i32
      %dma_start3A_329 = arith.constant 0 : i32
      %dma_start3A_330 = arith.constant 0 : i32
      %dma_start3A_331 = tpu.memref_slice %arg8[%dma_start3A_329, %dma_start3A_330] : memref<640x64xf32, #tpu.memory_space<vmem>> -> memref<128x64xf32, #tpu.memory_space<vmem>>
      %dma_start3A_332 = tpu.memref_slice %arg7[%multiple_of3A_328] : memref<25600xi32, #tpu.memory_space<vmem>> -> memref<128xi32, #tpu.memory_space<vmem>>
      %dma_start3A_333 = arith.constant 0 : i32
      %dma_start3A_334 = arith.constant 0 : i32
      %dma_start3A_335 = tpu.memref_slice %arg5[%dma_start3A_333, %dma_start3A_334] : memref<2000000x64xf32, #tpu.memory_space<hbm>> -> memref<2000000x64xf32, #tpu.memory_space<hbm>>
      tpu.enqueue_indirect_dma source(%dma_start3A_335 : memref<2000000x64xf32, #tpu.memory_space<hbm>>) target(%dma_start3A_331 : memref<128x64xf32, #tpu.memory_space<vmem>>) offsets(%dma_start3A_332 : memref<128xi32, #tpu.memory_space<vmem>>) semaphore(%arg12 : memref<!tpu.dma_semaphore, #tpu.memory_space<semaphore_mem>>)
      %mul3A_336 = arith.constant 640 : i32
      %mul3A_337 = arith.muli %add3A_317, %mul3A_336 : i32
      %add3A_338 = arith.constant 128 : i32
      %add3A_339 = arith.addi %mul3A_337, %add3A_338 : i32
      %multiple_of3A_340 = tpu.assume_multiple %add3A_339, 128 : i32
      %dma_start3A_341 = arith.constant 128 : i32
      %dma_start3A_342 = arith.constant 0 : i32
      %dma_start3A_343 = tpu.memref_slice %arg8[%dma_start3A_341, %dma_start3A_342] : memref<640x64xf32, #tpu.memory_space<vmem>> -> memref<128x64xf32, #tpu.memory_space<vmem>>
      %dma_start3A_344 = tpu.memref_slice %arg7[%multiple_of3A_340] : memref<25600xi32, #tpu.memory_space<vmem>> -> memref<128xi32, #tpu.memory_space<vmem>>
      %dma_start3A_345 = arith.constant 0 : i32
      %dma_start3A_346 = arith.constant 0 : i32
      %dma_start3A_347 = tpu.memref_slice %arg5[%dma_start3A_345, %dma_start3A_346] : memref<2000000x64xf32, #tpu.memory_space<hbm>> -> memref<2000000x64xf32, #tpu.memory_space<hbm>>
      tpu.enqueue_indirect_dma source(%dma_start3A_347 : memref<2000000x64xf32, #tpu.memory_space<hbm>>) target(%dma_start3A_343 : memref<128x64xf32, #tpu.memory_space<vmem>>) offsets(%dma_start3A_344 : memref<128xi32, #tpu.memory_space<vmem>>) semaphore(%arg12 : memref<!tpu.dma_semaphore, #tpu.memory_space<semaphore_mem>>)
      %mul3A_348 = arith.constant 640 : i32
      %mul3A_349 = arith.muli %add3A_317, %mul3A_348 : i32
      %add3A_350 = arith.constant 256 : i32
      %add3A_351 = arith.addi %mul3A_349, %add3A_350 : i32
      %multiple_of3A_352 = tpu.assume_multiple %add3A_351, 128 : i32
      %dma_start3A_353 = arith.constant 256 : i32
      %dma_start3A_354 = arith.constant 0 : i32
      %dma_start3A_355 = tpu.memref_slice %arg8[%dma_start3A_353, %dma_start3A_354] : memref<640x64xf32, #tpu.memory_space<vmem>> -> memref<128x64xf32, #tpu.memory_space<vmem>>
      %dma_start3A_356 = tpu.memref_slice %arg7[%multiple_of3A_352] : memref<25600xi32, #tpu.memory_space<vmem>> -> memref<128xi32, #tpu.memory_space<vmem>>
      %dma_start3A_357 = arith.constant 0 : i32
      %dma_start3A_358 = arith.constant 0 : i32
      %dma_start3A_359 = tpu.memref_slice %arg5[%dma_start3A_357, %dma_start3A_358] : memref<2000000x64xf32, #tpu.memory_space<hbm>> -> memref<2000000x64xf32, #tpu.memory_space<hbm>>
      tpu.enqueue_indirect_dma source(%dma_start3A_359 : memref<2000000x64xf32, #tpu.memory_space<hbm>>) target(%dma_start3A_355 : memref<128x64xf32, #tpu.memory_space<vmem>>) offsets(%dma_start3A_356 : memref<128xi32, #tpu.memory_space<vmem>>) semaphore(%arg12 : memref<!tpu.dma_semaphore, #tpu.memory_space<semaphore_mem>>)
      %mul3A_360 = arith.constant 640 : i32
      %mul3A_361 = arith.muli %add3A_317, %mul3A_360 : i32
      %add3A_362 = arith.constant 384 : i32
      %add3A_363 = arith.addi %mul3A_361, %add3A_362 : i32
      %multiple_of3A_364 = tpu.assume_multiple %add3A_363, 128 : i32
      %dma_start3A_365 = arith.constant 384 : i32
      %dma_start3A_366 = arith.constant 0 : i32
      %dma_start3A_367 = tpu.memref_slice %arg8[%dma_start3A_365, %dma_start3A_366] : memref<640x64xf32, #tpu.memory_space<vmem>> -> memref<128x64xf32, #tpu.memory_space<vmem>>
      %dma_start3A_368 = tpu.memref_slice %arg7[%multiple_of3A_364] : memref<25600xi32, #tpu.memory_space<vmem>> -> memref<128xi32, #tpu.memory_space<vmem>>
      %dma_start3A_369 = arith.constant 0 : i32
      %dma_start3A_370 = arith.constant 0 : i32
      %dma_start3A_371 = tpu.memref_slice %arg5[%dma_start3A_369, %dma_start3A_370] : memref<2000000x64xf32, #tpu.memory_space<hbm>> -> memref<2000000x64xf32, #tpu.memory_space<hbm>>
      tpu.enqueue_indirect_dma source(%dma_start3A_371 : memref<2000000x64xf32, #tpu.memory_space<hbm>>) target(%dma_start3A_367 : memref<128x64xf32, #tpu.memory_space<vmem>>) offsets(%dma_start3A_368 : memref<128xi32, #tpu.memory_space<vmem>>) semaphore(%arg12 : memref<!tpu.dma_semaphore, #tpu.memory_space<semaphore_mem>>)
      %mul3A_372 = arith.constant 640 : i32
      %mul3A_373 = arith.muli %add3A_317, %mul3A_372 : i32
      %add3A_374 = arith.constant 512 : i32
      %add3A_375 = arith.addi %mul3A_373, %add3A_374 : i32
      %multiple_of3A_376 = tpu.assume_multiple %add3A_375, 128 : i32
      %dma_start3A_377 = arith.constant 512 : i32
      %dma_start3A_378 = arith.constant 0 : i32
      %dma_start3A_379 = tpu.memref_slice %arg8[%dma_start3A_377, %dma_start3A_378] : memref<640x64xf32, #tpu.memory_space<vmem>> -> memref<128x64xf32, #tpu.memory_space<vmem>>
      %dma_start3A_380 = tpu.memref_slice %arg7[%multiple_of3A_376] : memref<25600xi32, #tpu.memory_space<vmem>> -> memref<128xi32, #tpu.memory_space<vmem>>
      %dma_start3A_381 = arith.constant 0 : i32
      %dma_start3A_382 = arith.constant 0 : i32
      %dma_start3A_383 = tpu.memref_slice %arg5[%dma_start3A_381, %dma_start3A_382] : memref<2000000x64xf32, #tpu.memory_space<hbm>> -> memref<2000000x64xf32, #tpu.memory_space<hbm>>
      tpu.enqueue_indirect_dma source(%dma_start3A_383 : memref<2000000x64xf32, #tpu.memory_space<hbm>>) target(%dma_start3A_379 : memref<128x64xf32, #tpu.memory_space<vmem>>) offsets(%dma_start3A_380 : memref<128xi32, #tpu.memory_space<vmem>>) semaphore(%arg12 : memref<!tpu.dma_semaphore, #tpu.memory_space<semaphore_mem>>)
      %dma_wait3A_384 = arith.constant 0 : i32
      %dma_wait3A_385 = arith.constant 0 : i32
      %dma_wait3A_386 = tpu.memref_slice %arg9[%dma_wait3A_384, %dma_wait3A_385] : memref<640x64xf32, #tpu.memory_space<vmem>> -> memref<128x64xf32, #tpu.memory_space<vmem>>
      %dma_wait3A_387 = arith.constant 0 : i32
      %dma_wait3A_388 = tpu.memref_slice %arg7[%dma_wait3A_387] : memref<25600xi32, #tpu.memory_space<vmem>> -> memref<128xi32, #tpu.memory_space<vmem>>
      %dma_wait3A_389 = arith.constant 0 : i32
      %dma_wait3A_390 = arith.constant 0 : i32
      %dma_wait3A_391 = tpu.memref_slice %arg5[%dma_wait3A_389, %dma_wait3A_390] : memref<2000000x64xf32, #tpu.memory_space<hbm>> -> memref<2000000x64xf32, #tpu.memory_space<hbm>>
      tpu.wait_indirect_dma semaphore(%arg13 : memref<!tpu.dma_semaphore, #tpu.memory_space<semaphore_mem>>) src(%dma_wait3A_391 : memref<2000000x64xf32, #tpu.memory_space<hbm>>) dst(%dma_wait3A_386 : memref<128x64xf32, #tpu.memory_space<vmem>>)
      %dma_wait3A_392 = arith.constant 128 : i32
      %dma_wait3A_393 = arith.constant 0 : i32
      %dma_wait3A_394 = tpu.memref_slice %arg9[%dma_wait3A_392, %dma_wait3A_393] : memref<640x64xf32, #tpu.memory_space<vmem>> -> memref<128x64xf32, #tpu.memory_space<vmem>>
      %dma_wait3A_395 = arith.constant 128 : i32
      %dma_wait3A_396 = tpu.memref_slice %arg7[%dma_wait3A_395] : memref<25600xi32, #tpu.memory_space<vmem>> -> memref<128xi32, #tpu.memory_space<vmem>>
      %dma_wait3A_397 = arith.constant 0 : i32
      %dma_wait3A_398 = arith.constant 0 : i32
      %dma_wait3A_399 = tpu.memref_slice %arg5[%dma_wait3A_397, %dma_wait3A_398] : memref<2000000x64xf32, #tpu.memory_space<hbm>> -> memref<2000000x64xf32, #tpu.memory_space<hbm>>
      tpu.wait_indirect_dma semaphore(%arg13 : memref<!tpu.dma_semaphore, #tpu.memory_space<semaphore_mem>>) src(%dma_wait3A_399 : memref<2000000x64xf32, #tpu.memory_space<hbm>>) dst(%dma_wait3A_394 : memref<128x64xf32, #tpu.memory_space<vmem>>)
      %dma_wait3A_400 = arith.constant 256 : i32
      %dma_wait3A_401 = arith.constant 0 : i32
      %dma_wait3A_402 = tpu.memref_slice %arg9[%dma_wait3A_400, %dma_wait3A_401] : memref<640x64xf32, #tpu.memory_space<vmem>> -> memref<128x64xf32, #tpu.memory_space<vmem>>
      %dma_wait3A_403 = arith.constant 256 : i32
      %dma_wait3A_404 = tpu.memref_slice %arg7[%dma_wait3A_403] : memref<25600xi32, #tpu.memory_space<vmem>> -> memref<128xi32, #tpu.memory_space<vmem>>
      %dma_wait3A_405 = arith.constant 0 : i32
      %dma_wait3A_406 = arith.constant 0 : i32
      %dma_wait3A_407 = tpu.memref_slice %arg5[%dma_wait3A_405, %dma_wait3A_406] : memref<2000000x64xf32, #tpu.memory_space<hbm>> -> memref<2000000x64xf32, #tpu.memory_space<hbm>>
      tpu.wait_indirect_dma semaphore(%arg13 : memref<!tpu.dma_semaphore, #tpu.memory_space<semaphore_mem>>) src(%dma_wait3A_407 : memref<2000000x64xf32, #tpu.memory_space<hbm>>) dst(%dma_wait3A_402 : memref<128x64xf32, #tpu.memory_space<vmem>>)
      %dma_wait3A_408 = arith.constant 384 : i32
      %dma_wait3A_409 = arith.constant 0 : i32
      %dma_wait3A_410 = tpu.memref_slice %arg9[%dma_wait3A_408, %dma_wait3A_409] : memref<640x64xf32, #tpu.memory_space<vmem>> -> memref<128x64xf32, #tpu.memory_space<vmem>>
      %dma_wait3A_411 = arith.constant 384 : i32
      %dma_wait3A_412 = tpu.memref_slice %arg7[%dma_wait3A_411] : memref<25600xi32, #tpu.memory_space<vmem>> -> memref<128xi32, #tpu.memory_space<vmem>>
      %dma_wait3A_413 = arith.constant 0 : i32
      %dma_wait3A_414 = arith.constant 0 : i32
      %dma_wait3A_415 = tpu.memref_slice %arg5[%dma_wait3A_413, %dma_wait3A_414] : memref<2000000x64xf32, #tpu.memory_space<hbm>> -> memref<2000000x64xf32, #tpu.memory_space<hbm>>
      tpu.wait_indirect_dma semaphore(%arg13 : memref<!tpu.dma_semaphore, #tpu.memory_space<semaphore_mem>>) src(%dma_wait3A_415 : memref<2000000x64xf32, #tpu.memory_space<hbm>>) dst(%dma_wait3A_410 : memref<128x64xf32, #tpu.memory_space<vmem>>)
      %dma_wait3A_416 = arith.constant 512 : i32
      %dma_wait3A_417 = arith.constant 0 : i32
      %dma_wait3A_418 = tpu.memref_slice %arg9[%dma_wait3A_416, %dma_wait3A_417] : memref<640x64xf32, #tpu.memory_space<vmem>> -> memref<128x64xf32, #tpu.memory_space<vmem>>
      %dma_wait3A_419 = arith.constant 512 : i32
      %dma_wait3A_420 = tpu.memref_slice %arg7[%dma_wait3A_419] : memref<25600xi32, #tpu.memory_space<vmem>> -> memref<128xi32, #tpu.memory_space<vmem>>
      %dma_wait3A_421 = arith.constant 0 : i32
      %dma_wait3A_422 = arith.constant 0 : i32
      %dma_wait3A_423 = tpu.memref_slice %arg5[%dma_wait3A_421, %dma_wait3A_422] : memref<2000000x64xf32, #tpu.memory_space<hbm>> -> memref<2000000x64xf32, #tpu.memory_space<hbm>>
      tpu.wait_indirect_dma semaphore(%arg13 : memref<!tpu.dma_semaphore, #tpu.memory_space<semaphore_mem>>) src(%dma_wait3A_423 : memref<2000000x64xf32, #tpu.memory_space<hbm>>) dst(%dma_wait3A_418 : memref<128x64xf32, #tpu.memory_space<vmem>>)
      %sub3A = arith.constant 1 : i32
      %sub3A_424 = arith.subi %add3A_317, %sub3A : i32
      %mul3A_425 = arith.constant 640 : i32
      %mul3A_426 = arith.muli %sub3A_424, %mul3A_425 : i32
      %add3A_427 = arith.addi %mul3A_2, %mul3A_426 : i32
      %multiple_of3A_428 = tpu.assume_multiple %add3A_427, 640 : i32
      %dma_start3A_429 = arith.constant 0 : i32
      %dma_start3A_430 = tpu.memref_slice %arg6[%multiple_of3A_428, %dma_start3A_429] : memref<819200x128xf32, #tpu.memory_space<hbm>> -> memref<640x64xf32, #tpu.memory_space<hbm>>
      %dma_start3A_431 = arith.constant 0 : i32
      %dma_start3A_432 = tpu.memref_slice %arg6[%multiple_of3A_428, %dma_start3A_431] : memref<819200x128xf32, #tpu.memory_space<hbm>> -> memref<640x64xf32, #tpu.memory_space<hbm>>
      tpu.enqueue_dma source(%arg9 : memref<640x64xf32, #tpu.memory_space<vmem>>) target(%dma_start3A_432 : memref<640x64xf32, #tpu.memory_space<hbm>>) target_semaphore(%arg15 : memref<!tpu.dma_semaphore, #tpu.memory_space<semaphore_mem>>)
      %mul3A_433 = arith.constant 2 : i32
      %mul3A_434 = arith.muli %mul3A_433, %scan3A_313 : i32
      %add3A_435 = arith.constant 1 : i32
      %add3A_436 = arith.addi %mul3A_434, %add3A_435 : i32
      %dma_wait3A_437 = arith.constant 0 : i32
      %dma_wait3A_438 = arith.constant 0 : i32
      %dma_wait3A_439 = tpu.memref_slice %arg6[%dma_wait3A_437, %dma_wait3A_438] : memref<819200x128xf32, #tpu.memory_space<hbm>> -> memref<640x64xf32, #tpu.memory_space<hbm>>
      %dma_wait3A_440 = arith.constant 0 : i32
      %dma_wait3A_441 = arith.constant 0 : i32
      %dma_wait3A_442 = tpu.memref_slice %arg6[%dma_wait3A_440, %dma_wait3A_441] : memref<819200x128xf32, #tpu.memory_space<hbm>> -> memref<640x64xf32, #tpu.memory_space<hbm>>
      tpu.wait_dma2 semaphore(%arg15 : memref<!tpu.dma_semaphore, #tpu.memory_space<semaphore_mem>>) src(%arg9 : memref<640x64xf32, #tpu.memory_space<vmem>>) dst(%dma_wait3A_442 : memref<640x64xf32, #tpu.memory_space<hbm>>)
      %mul3A_443 = arith.constant 640 : i32
      %mul3A_444 = arith.muli %add3A_436, %mul3A_443 : i32
      %add3A_445 = arith.constant 0 : i32
      %add3A_446 = arith.addi %mul3A_444, %add3A_445 : i32
      %multiple_of3A_447 = tpu.assume_multiple %add3A_446, 128 : i32
      %dma_start3A_448 = arith.constant 0 : i32
      %dma_start3A_449 = arith.constant 0 : i32
      %dma_start3A_450 = tpu.memref_slice %arg9[%dma_start3A_448, %dma_start3A_449] : memref<640x64xf32, #tpu.memory_space<vmem>> -> memref<128x64xf32, #tpu.memory_space<vmem>>
      %dma_start3A_451 = tpu.memref_slice %arg7[%multiple_of3A_447] : memref<25600xi32, #tpu.memory_space<vmem>> -> memref<128xi32, #tpu.memory_space<vmem>>
      %dma_start3A_452 = arith.constant 0 : i32
      %dma_start3A_453 = arith.constant 0 : i32
      %dma_start3A_454 = tpu.memref_slice %arg5[%dma_start3A_452, %dma_start3A_453] : memref<2000000x64xf32, #tpu.memory_space<hbm>> -> memref<2000000x64xf32, #tpu.memory_space<hbm>>
      tpu.enqueue_indirect_dma source(%dma_start3A_454 : memref<2000000x64xf32, #tpu.memory_space<hbm>>) target(%dma_start3A_450 : memref<128x64xf32, #tpu.memory_space<vmem>>) offsets(%dma_start3A_451 : memref<128xi32, #tpu.memory_space<vmem>>) semaphore(%arg13 : memref<!tpu.dma_semaphore, #tpu.memory_space<semaphore_mem>>)
      %mul3A_455 = arith.constant 640 : i32
      %mul3A_456 = arith.muli %add3A_436, %mul3A_455 : i32
      %add3A_457 = arith.constant 128 : i32
      %add3A_458 = arith.addi %mul3A_456, %add3A_457 : i32
      %multiple_of3A_459 = tpu.assume_multiple %add3A_458, 128 : i32
      %dma_start3A_460 = arith.constant 128 : i32
      %dma_start3A_461 = arith.constant 0 : i32
      %dma_start3A_462 = tpu.memref_slice %arg9[%dma_start3A_460, %dma_start3A_461] : memref<640x64xf32, #tpu.memory_space<vmem>> -> memref<128x64xf32, #tpu.memory_space<vmem>>
      %dma_start3A_463 = tpu.memref_slice %arg7[%multiple_of3A_459] : memref<25600xi32, #tpu.memory_space<vmem>> -> memref<128xi32, #tpu.memory_space<vmem>>
      %dma_start3A_464 = arith.constant 0 : i32
      %dma_start3A_465 = arith.constant 0 : i32
      %dma_start3A_466 = tpu.memref_slice %arg5[%dma_start3A_464, %dma_start3A_465] : memref<2000000x64xf32, #tpu.memory_space<hbm>> -> memref<2000000x64xf32, #tpu.memory_space<hbm>>
      tpu.enqueue_indirect_dma source(%dma_start3A_466 : memref<2000000x64xf32, #tpu.memory_space<hbm>>) target(%dma_start3A_462 : memref<128x64xf32, #tpu.memory_space<vmem>>) offsets(%dma_start3A_463 : memref<128xi32, #tpu.memory_space<vmem>>) semaphore(%arg13 : memref<!tpu.dma_semaphore, #tpu.memory_space<semaphore_mem>>)
      %mul3A_467 = arith.constant 640 : i32
      %mul3A_468 = arith.muli %add3A_436, %mul3A_467 : i32
      %add3A_469 = arith.constant 256 : i32
      %add3A_470 = arith.addi %mul3A_468, %add3A_469 : i32
      %multiple_of3A_471 = tpu.assume_multiple %add3A_470, 128 : i32
      %dma_start3A_472 = arith.constant 256 : i32
      %dma_start3A_473 = arith.constant 0 : i32
      %dma_start3A_474 = tpu.memref_slice %arg9[%dma_start3A_472, %dma_start3A_473] : memref<640x64xf32, #tpu.memory_space<vmem>> -> memref<128x64xf32, #tpu.memory_space<vmem>>
      %dma_start3A_475 = tpu.memref_slice %arg7[%multiple_of3A_471] : memref<25600xi32, #tpu.memory_space<vmem>> -> memref<128xi32, #tpu.memory_space<vmem>>
      %dma_start3A_476 = arith.constant 0 : i32
      %dma_start3A_477 = arith.constant 0 : i32
      %dma_start3A_478 = tpu.memref_slice %arg5[%dma_start3A_476, %dma_start3A_477] : memref<2000000x64xf32, #tpu.memory_space<hbm>> -> memref<2000000x64xf32, #tpu.memory_space<hbm>>
      tpu.enqueue_indirect_dma source(%dma_start3A_478 : memref<2000000x64xf32, #tpu.memory_space<hbm>>) target(%dma_start3A_474 : memref<128x64xf32, #tpu.memory_space<vmem>>) offsets(%dma_start3A_475 : memref<128xi32, #tpu.memory_space<vmem>>) semaphore(%arg13 : memref<!tpu.dma_semaphore, #tpu.memory_space<semaphore_mem>>)
      %mul3A_479 = arith.constant 640 : i32
      %mul3A_480 = arith.muli %add3A_436, %mul3A_479 : i32
      %add3A_481 = arith.constant 384 : i32
      %add3A_482 = arith.addi %mul3A_480, %add3A_481 : i32
      %multiple_of3A_483 = tpu.assume_multiple %add3A_482, 128 : i32
      %dma_start3A_484 = arith.constant 384 : i32
      %dma_start3A_485 = arith.constant 0 : i32
      %dma_start3A_486 = tpu.memref_slice %arg9[%dma_start3A_484, %dma_start3A_485] : memref<640x64xf32, #tpu.memory_space<vmem>> -> memref<128x64xf32, #tpu.memory_space<vmem>>
      %dma_start3A_487 = tpu.memref_slice %arg7[%multiple_of3A_483] : memref<25600xi32, #tpu.memory_space<vmem>> -> memref<128xi32, #tpu.memory_space<vmem>>
      %dma_start3A_488 = arith.constant 0 : i32
      %dma_start3A_489 = arith.constant 0 : i32
      %dma_start3A_490 = tpu.memref_slice %arg5[%dma_start3A_488, %dma_start3A_489] : memref<2000000x64xf32, #tpu.memory_space<hbm>> -> memref<2000000x64xf32, #tpu.memory_space<hbm>>
      tpu.enqueue_indirect_dma source(%dma_start3A_490 : memref<2000000x64xf32, #tpu.memory_space<hbm>>) target(%dma_start3A_486 : memref<128x64xf32, #tpu.memory_space<vmem>>) offsets(%dma_start3A_487 : memref<128xi32, #tpu.memory_space<vmem>>) semaphore(%arg13 : memref<!tpu.dma_semaphore, #tpu.memory_space<semaphore_mem>>)
      %mul3A_491 = arith.constant 640 : i32
      %mul3A_492 = arith.muli %add3A_436, %mul3A_491 : i32
      %add3A_493 = arith.constant 512 : i32
      %add3A_494 = arith.addi %mul3A_492, %add3A_493 : i32
      %multiple_of3A_495 = tpu.assume_multiple %add3A_494, 128 : i32
      %dma_start3A_496 = arith.constant 512 : i32
      %dma_start3A_497 = arith.constant 0 : i32
      %dma_start3A_498 = tpu.memref_slice %arg9[%dma_start3A_496, %dma_start3A_497] : memref<640x64xf32, #tpu.memory_space<vmem>> -> memref<128x64xf32, #tpu.memory_space<vmem>>
      %dma_start3A_499 = tpu.memref_slice %arg7[%multiple_of3A_495] : memref<25600xi32, #tpu.memory_space<vmem>> -> memref<128xi32, #tpu.memory_space<vmem>>
      %dma_start3A_500 = arith.constant 0 : i32
      %dma_start3A_501 = arith.constant 0 : i32
      %dma_start3A_502 = tpu.memref_slice %arg5[%dma_start3A_500, %dma_start3A_501] : memref<2000000x64xf32, #tpu.memory_space<hbm>> -> memref<2000000x64xf32, #tpu.memory_space<hbm>>
      tpu.enqueue_indirect_dma source(%dma_start3A_502 : memref<2000000x64xf32, #tpu.memory_space<hbm>>) target(%dma_start3A_498 : memref<128x64xf32, #tpu.memory_space<vmem>>) offsets(%dma_start3A_499 : memref<128xi32, #tpu.memory_space<vmem>>) semaphore(%arg13 : memref<!tpu.dma_semaphore, #tpu.memory_space<semaphore_mem>>)
      %dma_wait3A_503 = arith.constant 0 : i32
      %dma_wait3A_504 = arith.constant 0 : i32
      %dma_wait3A_505 = tpu.memref_slice %arg8[%dma_wait3A_503, %dma_wait3A_504] : memref<640x64xf32, #tpu.memory_space<vmem>> -> memref<128x64xf32, #tpu.memory_space<vmem>>
      %dma_wait3A_506 = arith.constant 0 : i32
      %dma_wait3A_507 = tpu.memref_slice %arg7[%dma_wait3A_506] : memref<25600xi32, #tpu.memory_space<vmem>> -> memref<128xi32, #tpu.memory_space<vmem>>
      %dma_wait3A_508 = arith.constant 0 : i32
      %dma_wait3A_509 = arith.constant 0 : i32
      %dma_wait3A_510 = tpu.memref_slice %arg5[%dma_wait3A_508, %dma_wait3A_509] : memref<2000000x64xf32, #tpu.memory_space<hbm>> -> memref<2000000x64xf32, #tpu.memory_space<hbm>>
      tpu.wait_indirect_dma semaphore(%arg12 : memref<!tpu.dma_semaphore, #tpu.memory_space<semaphore_mem>>) src(%dma_wait3A_510 : memref<2000000x64xf32, #tpu.memory_space<hbm>>) dst(%dma_wait3A_505 : memref<128x64xf32, #tpu.memory_space<vmem>>)
      %dma_wait3A_511 = arith.constant 128 : i32
      %dma_wait3A_512 = arith.constant 0 : i32
      %dma_wait3A_513 = tpu.memref_slice %arg8[%dma_wait3A_511, %dma_wait3A_512] : memref<640x64xf32, #tpu.memory_space<vmem>> -> memref<128x64xf32, #tpu.memory_space<vmem>>
      %dma_wait3A_514 = arith.constant 128 : i32
      %dma_wait3A_515 = tpu.memref_slice %arg7[%dma_wait3A_514] : memref<25600xi32, #tpu.memory_space<vmem>> -> memref<128xi32, #tpu.memory_space<vmem>>
      %dma_wait3A_516 = arith.constant 0 : i32
      %dma_wait3A_517 = arith.constant 0 : i32
      %dma_wait3A_518 = tpu.memref_slice %arg5[%dma_wait3A_516, %dma_wait3A_517] : memref<2000000x64xf32, #tpu.memory_space<hbm>> -> memref<2000000x64xf32, #tpu.memory_space<hbm>>
      tpu.wait_indirect_dma semaphore(%arg12 : memref<!tpu.dma_semaphore, #tpu.memory_space<semaphore_mem>>) src(%dma_wait3A_518 : memref<2000000x64xf32, #tpu.memory_space<hbm>>) dst(%dma_wait3A_513 : memref<128x64xf32, #tpu.memory_space<vmem>>)
      %dma_wait3A_519 = arith.constant 256 : i32
      %dma_wait3A_520 = arith.constant 0 : i32
      %dma_wait3A_521 = tpu.memref_slice %arg8[%dma_wait3A_519, %dma_wait3A_520] : memref<640x64xf32, #tpu.memory_space<vmem>> -> memref<128x64xf32, #tpu.memory_space<vmem>>
      %dma_wait3A_522 = arith.constant 256 : i32
      %dma_wait3A_523 = tpu.memref_slice %arg7[%dma_wait3A_522] : memref<25600xi32, #tpu.memory_space<vmem>> -> memref<128xi32, #tpu.memory_space<vmem>>
      %dma_wait3A_524 = arith.constant 0 : i32
      %dma_wait3A_525 = arith.constant 0 : i32
      %dma_wait3A_526 = tpu.memref_slice %arg5[%dma_wait3A_524, %dma_wait3A_525] : memref<2000000x64xf32, #tpu.memory_space<hbm>> -> memref<2000000x64xf32, #tpu.memory_space<hbm>>
      tpu.wait_indirect_dma semaphore(%arg12 : memref<!tpu.dma_semaphore, #tpu.memory_space<semaphore_mem>>) src(%dma_wait3A_526 : memref<2000000x64xf32, #tpu.memory_space<hbm>>) dst(%dma_wait3A_521 : memref<128x64xf32, #tpu.memory_space<vmem>>)
      %dma_wait3A_527 = arith.constant 384 : i32
      %dma_wait3A_528 = arith.constant 0 : i32
      %dma_wait3A_529 = tpu.memref_slice %arg8[%dma_wait3A_527, %dma_wait3A_528] : memref<640x64xf32, #tpu.memory_space<vmem>> -> memref<128x64xf32, #tpu.memory_space<vmem>>
      %dma_wait3A_530 = arith.constant 384 : i32
      %dma_wait3A_531 = tpu.memref_slice %arg7[%dma_wait3A_530] : memref<25600xi32, #tpu.memory_space<vmem>> -> memref<128xi32, #tpu.memory_space<vmem>>
      %dma_wait3A_532 = arith.constant 0 : i32
      %dma_wait3A_533 = arith.constant 0 : i32
      %dma_wait3A_534 = tpu.memref_slice %arg5[%dma_wait3A_532, %dma_wait3A_533] : memref<2000000x64xf32, #tpu.memory_space<hbm>> -> memref<2000000x64xf32, #tpu.memory_space<hbm>>
      tpu.wait_indirect_dma semaphore(%arg12 : memref<!tpu.dma_semaphore, #tpu.memory_space<semaphore_mem>>) src(%dma_wait3A_534 : memref<2000000x64xf32, #tpu.memory_space<hbm>>) dst(%dma_wait3A_529 : memref<128x64xf32, #tpu.memory_space<vmem>>)
      %dma_wait3A_535 = arith.constant 512 : i32
      %dma_wait3A_536 = arith.constant 0 : i32
      %dma_wait3A_537 = tpu.memref_slice %arg8[%dma_wait3A_535, %dma_wait3A_536] : memref<640x64xf32, #tpu.memory_space<vmem>> -> memref<128x64xf32, #tpu.memory_space<vmem>>
      %dma_wait3A_538 = arith.constant 512 : i32
      %dma_wait3A_539 = tpu.memref_slice %arg7[%dma_wait3A_538] : memref<25600xi32, #tpu.memory_space<vmem>> -> memref<128xi32, #tpu.memory_space<vmem>>
      %dma_wait3A_540 = arith.constant 0 : i32
      %dma_wait3A_541 = arith.constant 0 : i32
      %dma_wait3A_542 = tpu.memref_slice %arg5[%dma_wait3A_540, %dma_wait3A_541] : memref<2000000x64xf32, #tpu.memory_space<hbm>> -> memref<2000000x64xf32, #tpu.memory_space<hbm>>
      tpu.wait_indirect_dma semaphore(%arg12 : memref<!tpu.dma_semaphore, #tpu.memory_space<semaphore_mem>>) src(%dma_wait3A_542 : memref<2000000x64xf32, #tpu.memory_space<hbm>>) dst(%dma_wait3A_537 : memref<128x64xf32, #tpu.memory_space<vmem>>)
      %sub3A_543 = arith.constant 1 : i32
      %sub3A_544 = arith.subi %add3A_436, %sub3A_543 : i32
      %mul3A_545 = arith.constant 640 : i32
      %mul3A_546 = arith.muli %sub3A_544, %mul3A_545 : i32
      %add3A_547 = arith.addi %mul3A_2, %mul3A_546 : i32
      %multiple_of3A_548 = tpu.assume_multiple %add3A_547, 640 : i32
      %dma_start3A_549 = arith.constant 0 : i32
      %dma_start3A_550 = tpu.memref_slice %arg6[%multiple_of3A_548, %dma_start3A_549] : memref<819200x128xf32, #tpu.memory_space<hbm>> -> memref<640x64xf32, #tpu.memory_space<hbm>>
      %dma_start3A_551 = arith.constant 0 : i32
      %dma_start3A_552 = tpu.memref_slice %arg6[%multiple_of3A_548, %dma_start3A_551] : memref<819200x128xf32, #tpu.memory_space<hbm>> -> memref<640x64xf32, #tpu.memory_space<hbm>>
      tpu.enqueue_dma source(%arg8 : memref<640x64xf32, #tpu.memory_space<vmem>>) target(%dma_start3A_552 : memref<640x64xf32, #tpu.memory_space<hbm>>) target_semaphore(%arg14 : memref<!tpu.dma_semaphore, #tpu.memory_space<semaphore_mem>>)
    }
    %scan3A_141 = arith.constant 19 : i32
    %dma_wait3A_142 = arith.constant 0 : i32
    %dma_wait3A_143 = arith.constant 0 : i32
    %dma_wait3A_144 = tpu.memref_slice %arg9[%dma_wait3A_142, %dma_wait3A_143] : memref<640x64xf32, #tpu.memory_space<vmem>> -> memref<128x64xf32, #tpu.memory_space<vmem>>
    %dma_wait3A_145 = arith.constant 0 : i32
    %dma_wait3A_146 = tpu.memref_slice %arg7[%dma_wait3A_145] : memref<25600xi32, #tpu.memory_space<vmem>> -> memref<128xi32, #tpu.memory_space<vmem>>
    %dma_wait3A_147 = arith.constant 0 : i32
    %dma_wait3A_148 = arith.constant 0 : i32
    %dma_wait3A_149 = tpu.memref_slice %arg5[%dma_wait3A_147, %dma_wait3A_148] : memref<2000000x64xf32, #tpu.memory_space<hbm>> -> memref<2000000x64xf32, #tpu.memory_space<hbm>>
    tpu.wait_indirect_dma semaphore(%arg13 : memref<!tpu.dma_semaphore, #tpu.memory_space<semaphore_mem>>) src(%dma_wait3A_149 : memref<2000000x64xf32, #tpu.memory_space<hbm>>) dst(%dma_wait3A_144 : memref<128x64xf32, #tpu.memory_space<vmem>>)
    %dma_wait3A_150 = arith.constant 128 : i32
    %dma_wait3A_151 = arith.constant 0 : i32
    %dma_wait3A_152 = tpu.memref_slice %arg9[%dma_wait3A_150, %dma_wait3A_151] : memref<640x64xf32, #tpu.memory_space<vmem>> -> memref<128x64xf32, #tpu.memory_space<vmem>>
    %dma_wait3A_153 = arith.constant 128 : i32
    %dma_wait3A_154 = tpu.memref_slice %arg7[%dma_wait3A_153] : memref<25600xi32, #tpu.memory_space<vmem>> -> memref<128xi32, #tpu.memory_space<vmem>>
    %dma_wait3A_155 = arith.constant 0 : i32
    %dma_wait3A_156 = arith.constant 0 : i32
    %dma_wait3A_157 = tpu.memref_slice %arg5[%dma_wait3A_155, %dma_wait3A_156] : memref<2000000x64xf32, #tpu.memory_space<hbm>> -> memref<2000000x64xf32, #tpu.memory_space<hbm>>
    tpu.wait_indirect_dma semaphore(%arg13 : memref<!tpu.dma_semaphore, #tpu.memory_space<semaphore_mem>>) src(%dma_wait3A_157 : memref<2000000x64xf32, #tpu.memory_space<hbm>>) dst(%dma_wait3A_152 : memref<128x64xf32, #tpu.memory_space<vmem>>)
    %dma_wait3A_158 = arith.constant 256 : i32
    %dma_wait3A_159 = arith.constant 0 : i32
    %dma_wait3A_160 = tpu.memref_slice %arg9[%dma_wait3A_158, %dma_wait3A_159] : memref<640x64xf32, #tpu.memory_space<vmem>> -> memref<128x64xf32, #tpu.memory_space<vmem>>
    %dma_wait3A_161 = arith.constant 256 : i32
    %dma_wait3A_162 = tpu.memref_slice %arg7[%dma_wait3A_161] : memref<25600xi32, #tpu.memory_space<vmem>> -> memref<128xi32, #tpu.memory_space<vmem>>
    %dma_wait3A_163 = arith.constant 0 : i32
    %dma_wait3A_164 = arith.constant 0 : i32
    %dma_wait3A_165 = tpu.memref_slice %arg5[%dma_wait3A_163, %dma_wait3A_164] : memref<2000000x64xf32, #tpu.memory_space<hbm>> -> memref<2000000x64xf32, #tpu.memory_space<hbm>>
    tpu.wait_indirect_dma semaphore(%arg13 : memref<!tpu.dma_semaphore, #tpu.memory_space<semaphore_mem>>) src(%dma_wait3A_165 : memref<2000000x64xf32, #tpu.memory_space<hbm>>) dst(%dma_wait3A_160 : memref<128x64xf32, #tpu.memory_space<vmem>>)
    %dma_wait3A_166 = arith.constant 384 : i32
    %dma_wait3A_167 = arith.constant 0 : i32
    %dma_wait3A_168 = tpu.memref_slice %arg9[%dma_wait3A_166, %dma_wait3A_167] : memref<640x64xf32, #tpu.memory_space<vmem>> -> memref<128x64xf32, #tpu.memory_space<vmem>>
    %dma_wait3A_169 = arith.constant 384 : i32
    %dma_wait3A_170 = tpu.memref_slice %arg7[%dma_wait3A_169] : memref<25600xi32, #tpu.memory_space<vmem>> -> memref<128xi32, #tpu.memory_space<vmem>>
    %dma_wait3A_171 = arith.constant 0 : i32
    %dma_wait3A_172 = arith.constant 0 : i32
    %dma_wait3A_173 = tpu.memref_slice %arg5[%dma_wait3A_171, %dma_wait3A_172] : memref<2000000x64xf32, #tpu.memory_space<hbm>> -> memref<2000000x64xf32, #tpu.memory_space<hbm>>
    tpu.wait_indirect_dma semaphore(%arg13 : memref<!tpu.dma_semaphore, #tpu.memory_space<semaphore_mem>>) src(%dma_wait3A_173 : memref<2000000x64xf32, #tpu.memory_space<hbm>>) dst(%dma_wait3A_168 : memref<128x64xf32, #tpu.memory_space<vmem>>)
    %dma_wait3A_174 = arith.constant 512 : i32
    %dma_wait3A_175 = arith.constant 0 : i32
    %dma_wait3A_176 = tpu.memref_slice %arg9[%dma_wait3A_174, %dma_wait3A_175] : memref<640x64xf32, #tpu.memory_space<vmem>> -> memref<128x64xf32, #tpu.memory_space<vmem>>
    %dma_wait3A_177 = arith.constant 512 : i32
    %dma_wait3A_178 = tpu.memref_slice %arg7[%dma_wait3A_177] : memref<25600xi32, #tpu.memory_space<vmem>> -> memref<128xi32, #tpu.memory_space<vmem>>
    %dma_wait3A_179 = arith.constant 0 : i32
    %dma_wait3A_180 = arith.constant 0 : i32
    %dma_wait3A_181 = tpu.memref_slice %arg5[%dma_wait3A_179, %dma_wait3A_180] : memref<2000000x64xf32, #tpu.memory_space<hbm>> -> memref<2000000x64xf32, #tpu.memory_space<hbm>>
    tpu.wait_indirect_dma semaphore(%arg13 : memref<!tpu.dma_semaphore, #tpu.memory_space<semaphore_mem>>) src(%dma_wait3A_181 : memref<2000000x64xf32, #tpu.memory_space<hbm>>) dst(%dma_wait3A_176 : memref<128x64xf32, #tpu.memory_space<vmem>>)
    %add3A_182 = arith.constant 24960 : i32
    %add3A_183 = arith.addi %mul3A_2, %add3A_182 : i32
    %multiple_of3A_184 = tpu.assume_multiple %add3A_183, 640 : i32
    %dma_start3A_185 = arith.constant 0 : i32
    %dma_start3A_186 = tpu.memref_slice %arg6[%multiple_of3A_184, %dma_start3A_185] : memref<819200x128xf32, #tpu.memory_space<hbm>> -> memref<640x64xf32, #tpu.memory_space<hbm>>
    %dma_start3A_187 = arith.constant 0 : i32
    %dma_start3A_188 = tpu.memref_slice %arg6[%multiple_of3A_184, %dma_start3A_187] : memref<819200x128xf32, #tpu.memory_space<hbm>> -> memref<640x64xf32, #tpu.memory_space<hbm>>
    tpu.enqueue_dma source(%arg9 : memref<640x64xf32, #tpu.memory_space<vmem>>) target(%dma_start3A_188 : memref<640x64xf32, #tpu.memory_space<hbm>>) target_semaphore(%arg15 : memref<!tpu.dma_semaphore, #tpu.memory_space<semaphore_mem>>)
    %dma_wait3A_189 = arith.constant 0 : i32
    %dma_wait3A_190 = arith.constant 0 : i32
    %dma_wait3A_191 = tpu.memref_slice %arg6[%dma_wait3A_189, %dma_wait3A_190] : memref<819200x128xf32, #tpu.memory_space<hbm>> -> memref<640x64xf32, #tpu.memory_space<hbm>>
    %dma_wait3A_192 = arith.constant 0 : i32
    %dma_wait3A_193 = arith.constant 0 : i32
    %dma_wait3A_194 = tpu.memref_slice %arg6[%dma_wait3A_192, %dma_wait3A_193] : memref<819200x128xf32, #tpu.memory_space<hbm>> -> memref<640x64xf32, #tpu.memory_space<hbm>>
    tpu.wait_dma2 semaphore(%arg14 : memref<!tpu.dma_semaphore, #tpu.memory_space<semaphore_mem>>) src(%arg8 : memref<640x64xf32, #tpu.memory_space<vmem>>) dst(%dma_wait3A_194 : memref<640x64xf32, #tpu.memory_space<hbm>>)
    %dma_wait3A_195 = arith.constant 0 : i32
    %dma_wait3A_196 = arith.constant 0 : i32
    %dma_wait3A_197 = tpu.memref_slice %arg6[%dma_wait3A_195, %dma_wait3A_196] : memref<819200x128xf32, #tpu.memory_space<hbm>> -> memref<640x64xf32, #tpu.memory_space<hbm>>
    %dma_wait3A_198 = arith.constant 0 : i32
    %dma_wait3A_199 = arith.constant 0 : i32
    %dma_wait3A_200 = tpu.memref_slice %arg6[%dma_wait3A_198, %dma_wait3A_199] : memref<819200x128xf32, #tpu.memory_space<hbm>> -> memref<640x64xf32, #tpu.memory_space<hbm>>
    tpu.wait_dma2 semaphore(%arg15 : memref<!tpu.dma_semaphore, #tpu.memory_space<semaphore_mem>>) src(%arg9 : memref<640x64xf32, #tpu.memory_space<vmem>>) dst(%dma_wait3A_200 : memref<640x64xf32, #tpu.memory_space<hbm>>)
    %mul3A_201 = arith.constant 128 : i32
    %mul3A_202 = arith.muli %add3A, %mul3A_201 : i32
    "tpu.region"() ({
      %run_scoped3A = tpu.sem_alloc : memref<!tpu.dma_semaphore, #tpu.memory_space<semaphore_mem>>
      %dma_start3A_313 = arith.constant 0 : i32
      %dma_start3A_314 = tpu.memref_slice %arg7[%dma_start3A_313] : memref<25600xi32, #tpu.memory_space<vmem>> -> memref<128xi32, #tpu.memory_space<vmem>>
      %dma_start3A_315 = tpu.memref_slice %arg2[%mul3A_202] : memref<4096xi32, #tpu.memory_space<hbm>> -> memref<128xi32, #tpu.memory_space<hbm>>
      %dma_start3A_316 = arith.constant 0 : i32
      %dma_start3A_317 = tpu.memref_slice %arg7[%dma_start3A_316] : memref<25600xi32, #tpu.memory_space<vmem>> -> memref<128xi32, #tpu.memory_space<vmem>>
      %dma_start3A_318 = tpu.memref_slice %arg2[%mul3A_202] : memref<4096xi32, #tpu.memory_space<hbm>> -> memref<128xi32, #tpu.memory_space<hbm>>
      tpu.enqueue_dma source(%dma_start3A_318 : memref<128xi32, #tpu.memory_space<hbm>>) target(%dma_start3A_317 : memref<128xi32, #tpu.memory_space<vmem>>) target_semaphore(%run_scoped3A : memref<!tpu.dma_semaphore, #tpu.memory_space<semaphore_mem>>)
      %dma_wait3A_319 = arith.constant 0 : i32
      %dma_wait3A_320 = tpu.memref_slice %arg7[%dma_wait3A_319] : memref<25600xi32, #tpu.memory_space<vmem>> -> memref<128xi32, #tpu.memory_space<vmem>>
      %dma_wait3A_321 = tpu.memref_slice %arg2[%mul3A_202] : memref<4096xi32, #tpu.memory_space<hbm>> -> memref<128xi32, #tpu.memory_space<hbm>>
      %dma_wait3A_322 = arith.constant 0 : i32
      %dma_wait3A_323 = tpu.memref_slice %arg7[%dma_wait3A_322] : memref<25600xi32, #tpu.memory_space<vmem>> -> memref<128xi32, #tpu.memory_space<vmem>>
      %dma_wait3A_324 = tpu.memref_slice %arg2[%mul3A_202] : memref<4096xi32, #tpu.memory_space<hbm>> -> memref<128xi32, #tpu.memory_space<hbm>>
      tpu.wait_dma2 semaphore(%run_scoped3A : memref<!tpu.dma_semaphore, #tpu.memory_space<semaphore_mem>>) src(%dma_wait3A_324 : memref<128xi32, #tpu.memory_space<hbm>>) dst(%dma_wait3A_323 : memref<128xi32, #tpu.memory_space<vmem>>)
      tpu.yield
    }) : () -> ()
    %dma_start3A_203 = arith.constant 0 : i32
    %dma_start3A_204 = tpu.memref_slice %arg7[%dma_start3A_203] : memref<25600xi32, #tpu.memory_space<vmem>> -> memref<128xi32, #tpu.memory_space<vmem>>
    %dma_start3A_205 = arith.constant 0 : i32
    %dma_start3A_206 = arith.constant 0 : i32
    %dma_start3A_207 = tpu.memref_slice %arg4[%dma_start3A_205, %dma_start3A_206] : memref<16x128xf32, #tpu.memory_space<hbm>> -> memref<16x128xf32, #tpu.memory_space<hbm>>
    tpu.enqueue_indirect_dma source(%dma_start3A_207 : memref<16x128xf32, #tpu.memory_space<hbm>>) target(%arg10 : memref<128x128xf32, #tpu.memory_space<vmem>>) offsets(%dma_start3A_204 : memref<128xi32, #tpu.memory_space<vmem>>) semaphore(%arg12 : memref<!tpu.dma_semaphore, #tpu.memory_space<semaphore_mem>>)
    %dma_wait3A_208 = arith.constant 0 : i32
    %dma_wait3A_209 = tpu.memref_slice %arg7[%dma_wait3A_208] : memref<25600xi32, #tpu.memory_space<vmem>> -> memref<128xi32, #tpu.memory_space<vmem>>
    %dma_wait3A_210 = arith.constant 0 : i32
    %dma_wait3A_211 = arith.constant 0 : i32
    %dma_wait3A_212 = tpu.memref_slice %arg4[%dma_wait3A_210, %dma_wait3A_211] : memref<16x128xf32, #tpu.memory_space<hbm>> -> memref<16x128xf32, #tpu.memory_space<hbm>>
    tpu.wait_indirect_dma semaphore(%arg12 : memref<!tpu.dma_semaphore, #tpu.memory_space<semaphore_mem>>) src(%dma_wait3A_212 : memref<16x128xf32, #tpu.memory_space<hbm>>) dst(%arg10 : memref<128x128xf32, #tpu.memory_space<vmem>>)
    %iota3A = tpu.iota {dimensions = array<i32: 0>} : vector<16xi32>
    %add3A_213 = arith.constant 0 : i32
    %add3A_214 = arith.addi %mul3A_202, %add3A_213 : i32
    %add3A_215 = vector.broadcast %add3A_214 : i32 to vector<16xi32>
    %add3A_216 = arith.addi %iota3A, %add3A_215 : vector<16xi32>
    %mul3A_217 = arith.constant 200 : i32
    %mul3A_218 = vector.broadcast %mul3A_217 : i32 to vector<16xi32>
    %mul3A_219 = arith.muli %add3A_216, %mul3A_218 : vector<16xi32>
    %swap3A = arith.constant 0 : index
    %swap3A_220 = tpu.vector_load %arg11[%swap3A] {strides = array<i32>} : memref<128xi32, #tpu.memory_space<vmem>>, vector<16xi32>,
    %swap3A_221 = vector.shape_cast %swap3A_220 : vector<16xi32> to vector<16xi32>
    %swap3A_222 = vector.shape_cast %mul3A_219 : vector<16xi32> to vector<16xi32>
    tpu.vector_store %arg11[%swap3A], %swap3A_222 {strides = array<i32>} : memref<128xi32, #tpu.memory_space<vmem>>, vector<16xi32>,
    %iota3A_223 = tpu.iota {dimensions = array<i32: 0>} : vector<16xi32>
    %add3A_224 = arith.constant 16 : i32
    %add3A_225 = arith.addi %mul3A_202, %add3A_224 : i32
    %add3A_226 = vector.broadcast %add3A_225 : i32 to vector<16xi32>
    %add3A_227 = arith.addi %iota3A_223, %add3A_226 : vector<16xi32>
    %mul3A_228 = arith.constant 200 : i32
    %mul3A_229 = vector.broadcast %mul3A_228 : i32 to vector<16xi32>
    %mul3A_230 = arith.muli %add3A_227, %mul3A_229 : vector<16xi32>
    %swap3A_231 = arith.constant 16 : index
    %swap3A_232 = tpu.vector_load %arg11[%swap3A_231] {strides = array<i32>} : memref<128xi32, #tpu.memory_space<vmem>>, vector<16xi32>,
    %swap3A_233 = vector.shape_cast %swap3A_232 : vector<16xi32> to vector<16xi32>
    %swap3A_234 = vector.shape_cast %mul3A_230 : vector<16xi32> to vector<16xi32>
    tpu.vector_store %arg11[%swap3A_231], %swap3A_234 {strides = array<i32>} : memref<128xi32, #tpu.memory_space<vmem>>, vector<16xi32>,
    %iota3A_235 = tpu.iota {dimensions = array<i32: 0>} : vector<16xi32>
    %add3A_236 = arith.constant 32 : i32
    %add3A_237 = arith.addi %mul3A_202, %add3A_236 : i32
    %add3A_238 = vector.broadcast %add3A_237 : i32 to vector<16xi32>
    %add3A_239 = arith.addi %iota3A_235, %add3A_238 : vector<16xi32>
    %mul3A_240 = arith.constant 200 : i32
    %mul3A_241 = vector.broadcast %mul3A_240 : i32 to vector<16xi32>
    %mul3A_242 = arith.muli %add3A_239, %mul3A_241 : vector<16xi32>
    %swap3A_243 = arith.constant 32 : index
    %swap3A_244 = tpu.vector_load %arg11[%swap3A_243] {strides = array<i32>} : memref<128xi32, #tpu.memory_space<vmem>>, vector<16xi32>,
    %swap3A_245 = vector.shape_cast %swap3A_244 : vector<16xi32> to vector<16xi32>
    %swap3A_246 = vector.shape_cast %mul3A_242 : vector<16xi32> to vector<16xi32>
    tpu.vector_store %arg11[%swap3A_243], %swap3A_246 {strides = array<i32>} : memref<128xi32, #tpu.memory_space<vmem>>, vector<16xi32>,
    %iota3A_247 = tpu.iota {dimensions = array<i32: 0>} : vector<16xi32>
    %add3A_248 = arith.constant 48 : i32
    %add3A_249 = arith.addi %mul3A_202, %add3A_248 : i32
    %add3A_250 = vector.broadcast %add3A_249 : i32 to vector<16xi32>
    %add3A_251 = arith.addi %iota3A_247, %add3A_250 : vector<16xi32>
    %mul3A_252 = arith.constant 200 : i32
    %mul3A_253 = vector.broadcast %mul3A_252 : i32 to vector<16xi32>
    %mul3A_254 = arith.muli %add3A_251, %mul3A_253 : vector<16xi32>
    %swap3A_255 = arith.constant 48 : index
    %swap3A_256 = tpu.vector_load %arg11[%swap3A_255] {strides = array<i32>} : memref<128xi32, #tpu.memory_space<vmem>>, vector<16xi32>,
    %swap3A_257 = vector.shape_cast %swap3A_256 : vector<16xi32> to vector<16xi32>
    %swap3A_258 = vector.shape_cast %mul3A_254 : vector<16xi32> to vector<16xi32>
    tpu.vector_store %arg11[%swap3A_255], %swap3A_258 {strides = array<i32>} : memref<128xi32, #tpu.memory_space<vmem>>, vector<16xi32>,
    %iota3A_259 = tpu.iota {dimensions = array<i32: 0>} : vector<16xi32>
    %add3A_260 = arith.constant 64 : i32
    %add3A_261 = arith.addi %mul3A_202, %add3A_260 : i32
    %add3A_262 = vector.broadcast %add3A_261 : i32 to vector<16xi32>
    %add3A_263 = arith.addi %iota3A_259, %add3A_262 : vector<16xi32>
    %mul3A_264 = arith.constant 200 : i32
    %mul3A_265 = vector.broadcast %mul3A_264 : i32 to vector<16xi32>
    %mul3A_266 = arith.muli %add3A_263, %mul3A_265 : vector<16xi32>
    %swap3A_267 = arith.constant 64 : index
    %swap3A_268 = tpu.vector_load %arg11[%swap3A_267] {strides = array<i32>} : memref<128xi32, #tpu.memory_space<vmem>>, vector<16xi32>,
    %swap3A_269 = vector.shape_cast %swap3A_268 : vector<16xi32> to vector<16xi32>
    %swap3A_270 = vector.shape_cast %mul3A_266 : vector<16xi32> to vector<16xi32>
    tpu.vector_store %arg11[%swap3A_267], %swap3A_270 {strides = array<i32>} : memref<128xi32, #tpu.memory_space<vmem>>, vector<16xi32>,
    %iota3A_271 = tpu.iota {dimensions = array<i32: 0>} : vector<16xi32>
    %add3A_272 = arith.constant 80 : i32
    %add3A_273 = arith.addi %mul3A_202, %add3A_272 : i32
    %add3A_274 = vector.broadcast %add3A_273 : i32 to vector<16xi32>
    %add3A_275 = arith.addi %iota3A_271, %add3A_274 : vector<16xi32>
    %mul3A_276 = arith.constant 200 : i32
    %mul3A_277 = vector.broadcast %mul3A_276 : i32 to vector<16xi32>
    %mul3A_278 = arith.muli %add3A_275, %mul3A_277 : vector<16xi32>
    %swap3A_279 = arith.constant 80 : index
    %swap3A_280 = tpu.vector_load %arg11[%swap3A_279] {strides = array<i32>} : memref<128xi32, #tpu.memory_space<vmem>>, vector<16xi32>,
    %swap3A_281 = vector.shape_cast %swap3A_280 : vector<16xi32> to vector<16xi32>
    %swap3A_282 = vector.shape_cast %mul3A_278 : vector<16xi32> to vector<16xi32>
    tpu.vector_store %arg11[%swap3A_279], %swap3A_282 {strides = array<i32>} : memref<128xi32, #tpu.memory_space<vmem>>, vector<16xi32>,
    %iota3A_283 = tpu.iota {dimensions = array<i32: 0>} : vector<16xi32>
    %add3A_284 = arith.constant 96 : i32
    %add3A_285 = arith.addi %mul3A_202, %add3A_284 : i32
    %add3A_286 = vector.broadcast %add3A_285 : i32 to vector<16xi32>
    %add3A_287 = arith.addi %iota3A_283, %add3A_286 : vector<16xi32>
    %mul3A_288 = arith.constant 200 : i32
    %mul3A_289 = vector.broadcast %mul3A_288 : i32 to vector<16xi32>
    %mul3A_290 = arith.muli %add3A_287, %mul3A_289 : vector<16xi32>
    %swap3A_291 = arith.constant 96 : index
    %swap3A_292 = tpu.vector_load %arg11[%swap3A_291] {strides = array<i32>} : memref<128xi32, #tpu.memory_space<vmem>>, vector<16xi32>,
    %swap3A_293 = vector.shape_cast %swap3A_292 : vector<16xi32> to vector<16xi32>
    %swap3A_294 = vector.shape_cast %mul3A_290 : vector<16xi32> to vector<16xi32>
    tpu.vector_store %arg11[%swap3A_291], %swap3A_294 {strides = array<i32>} : memref<128xi32, #tpu.memory_space<vmem>>, vector<16xi32>,
    %iota3A_295 = tpu.iota {dimensions = array<i32: 0>} : vector<16xi32>
    %add3A_296 = arith.constant 112 : i32
    %add3A_297 = arith.addi %mul3A_202, %add3A_296 : i32
    %add3A_298 = vector.broadcast %add3A_297 : i32 to vector<16xi32>
    %add3A_299 = arith.addi %iota3A_295, %add3A_298 : vector<16xi32>
    %mul3A_300 = arith.constant 200 : i32
    %mul3A_301 = vector.broadcast %mul3A_300 : i32 to vector<16xi32>
    %mul3A_302 = arith.muli %add3A_299, %mul3A_301 : vector<16xi32>
    %swap3A_303 = arith.constant 112 : index
    %swap3A_304 = tpu.vector_load %arg11[%swap3A_303] {strides = array<i32>} : memref<128xi32, #tpu.memory_space<vmem>>, vector<16xi32>,
    %swap3A_305 = vector.shape_cast %swap3A_304 : vector<16xi32> to vector<16xi32>
    %swap3A_306 = vector.shape_cast %mul3A_302 : vector<16xi32> to vector<16xi32>
    tpu.vector_store %arg11[%swap3A_303], %swap3A_306 {strides = array<i32>} : memref<128xi32, #tpu.memory_space<vmem>>, vector<16xi32>,
    %dma_start3A_307 = arith.constant 0 : i32
    %dma_start3A_308 = arith.constant 0 : i32
    %dma_start3A_309 = tpu.memref_slice %arg6[%dma_start3A_307, %dma_start3A_308] : memref<819200x128xf32, #tpu.memory_space<hbm>> -> memref<819200x128xf32, #tpu.memory_space<hbm>>
    tpu.enqueue_indirect_dma source(%arg10 : memref<128x128xf32, #tpu.memory_space<vmem>>) target(%dma_start3A_309 : memref<819200x128xf32, #tpu.memory_space<hbm>>) offsets(%arg11 : memref<128xi32, #tpu.memory_space<vmem>>) semaphore(%arg12 : memref<!tpu.dma_semaphore, #tpu.memory_space<semaphore_mem>>)
    %dma_wait3A_310 = arith.constant 0 : i32
    %dma_wait3A_311 = arith.constant 0 : i32
    %dma_wait3A_312 = tpu.memref_slice %arg6[%dma_wait3A_310, %dma_wait3A_311] : memref<819200x128xf32, #tpu.memory_space<hbm>> -> memref<819200x128xf32, #tpu.memory_space<hbm>>
    tpu.wait_indirect_dma semaphore(%arg12 : memref<!tpu.dma_semaphore, #tpu.memory_space<semaphore_mem>>) src(%arg10 : memref<128x128xf32, #tpu.memory_space<vmem>>) dst(%dma_wait3A_312 : memref<819200x128xf32, #tpu.memory_space<hbm>>)
    return
  }
}

</mosaic_0001>

<sc_bundles>
// kernel: kernel.3.cloned.1.call-start
scs
__scs_entry_jumppad:
0x0: {  	(pc) =	sbr.rel $0x88, $3  }
0x1: {  	(tag) =	ssettag $0x0;
	lr =	simm.s32 $0x1  }
0x2: {  	[smem:$0x3F9D] =	sst lr;
	_ =	strace $0xD0000000  }
0x3: {  	_ = 	snop  }
0x4: {  	_ = 	snop  }
0x5: {  	_ = 	snop  }
0x6: {  	_ = 	snop  }
0x7: {  	_ = 	snop  }
__scs_overlays_trampoline_lowered:
0x8: {  	[smem:$0x3FAC] =	sst s0  }
0x9: {  	[smem:$0x3FAD] =	sst s1  }
0xa: {  	[smem:$0x3FAE] =	sst s2  }
0xb: {  	[smem:$0x3FAF] =	sst s3  }
0xc: {  	[smem:$0x3FB0] =	sst s4  }
0xd: {  	[smem:$0x3FB1] =	sst s5  }
0xe: {  	[smem:$0x3FB2] =	sst s6  }
0xf: {  	[smem:$0x3FB3] =	sst s7  }
0x10: {  	[smem:$0x3FB4] =	sst s8  }
0x11: {  	[smem:$0x3FB5] =	sst s9;
	s0 =	simm.s32 @!p0 $0x0  }
0x12: {  	s1 =	sld [smem:$0x3F9B];
	s0 =	simm.s32 @p0 $0x1  }
0x13: {  	[smem:$0x3FB6] =	sst s0;
	s0 =	simm.s32 @!p1 $0x0  }
0x14: {  	s2 =	sld [smem:$0x3F9A];
	s0 =	simm.s32 @p1 $0x1  }
0x15: {  	[smem:$0x3FB7] =	sst s0;
	s0 =	simm.s32 @!p2 $0x0  }
0x16: {  	s3 =	sld [smem:$0x3FDB];
	s0 =	simm.s32 @p2 $0x1  }
0x17: {  	s4 =	simm.s32 $0x1BF5;
	[smem:$0x3FB9] =	sst s0  }
0x18: {  	s0 =	sld [smem:$0x3F9C];
	_ =	swait.ge [sflag:s4], $0x0  }
0x19: {  	s7 =	sld [smem:$0x3F9D]  }
0x1a: {  	s8 =	sadd.s32 $0xFFFFE003, lr  }
0x1b: {  	s9 =	sadd.s32 $0xFFFFFEF7, lr;
	s5 =	simm.s32 $0xFFFFFFFF;
	p2 =	slt.u32 s8, $0xFFFFF086  }
0x1c: {  	p1 =	slt.u32 s9, $0xF7A;
	s5 =	simm.s32 @!p2 $0x0  }
0x1d: {  	s5 =	simm.s32 @p1 $0x1;
	p0 =	seq.s32 s7, s2  }
0x1e: {  	s7 =	smul.u32 @!p0 $0xF7A, s2;
	p2 =	seq.s32 @!p0 s5, $0x0  }
0x1f: {  	s9 =	smul.u32 $0xF7A, s1;
	s8 =	simm.s32 @!p0 $0x1BF5;
	p2 =	por !p2, p0  }
0x20: {  	[sflag:s8] =	ssyncset.s32 @!p0 $0xFFFFF086;
	s6 =	sadd.s32 @!p0 s3, s7;
	s7 =	simm.s32 @!p0 $0x108  }
0x21: {  	s3 =	sadd.s32 s3, s9;
	s6 =	sadd.s32 @!p0 $0x88, s6;
	s7 =	simm.s32 @p2 $0x1082  }
0x22: {  	[simem:s7], [sflag:s8] =	dma.local @!p0 [hbm:s6], $0xF7A  }
0x23: {  	s9 =	sor.u32 $0xD0000000, s2;
	s6 =	simm.s32 $0x108;
	_ =	swait.ge @!p0 [sflag:s8], $0x0  }
0x24: {  	s3 =	sadd.s32 $0x88, s3;
	s6 =	simm.s32 @!p1 $0x1082;
	[sflag:s4] =	ssyncset.s32 $0xFFFFF086  }
0x25: {  	[simem:s6], [sflag:s4] =	dma.local [hbm:s3], $0xF7A  }
0x26: {  	[smem:$0x3F9D] =	sst s1;
	(tag) =	ssettag s2;
	_ =	strace s9  }
0x27: {  	s1 =	sld [smem:$0x3FAD]  }
0x28: {  	s2 =	sld [smem:$0x3FAE]  }
0x29: {  	s4 =	sld [smem:$0x3FB0]  }
0x2a: {  	p0 =	seq.s32 s5, $0x0;
	s5 =	sld [smem:$0x3FB1]  }
0x2b: {  	s6 =	sld [smem:$0x3FB2]  }
0x2c: {  	s7 =	sld [smem:$0x3FB3]  }
0x2d: {  	s3 =	simm.s32 $0x108;
	s8 =	sld [smem:$0x3FB4]  }
0x2e: {  	s3 =	simm.s32 @!p0 $0x1082;
	s9 =	sld [smem:$0x3FB5]  }
0x2f: {  	lr =	sadd.s32 s0, s3;
	s0 =	sld [smem:$0x3FAC]  }
0x30: {  	s3 =	sld [smem:$0x3FAF]  }
0x31: {  	[smem:$0x3FB8] =	sst s10  }
0x32: {  	s10 =	sld [smem:$0x3FB6];
	_ =	sdelay $0x3  }
0x33: {  	p0 =	seq.s32 s10, $0x1;
	s10 =	sld [smem:$0x3FB8];
	_ =	sdelay $0x3  }
0x34: {  	[smem:$0x3FB8] =	sst s10  }
0x35: {  	s10 =	sld [smem:$0x3FB7];
	_ =	sdelay $0x3  }
0x36: {  	p1 =	seq.s32 s10, $0x1;
	s10 =	sld [smem:$0x3FB8];
	_ =	sdelay $0x3  }
0x37: {  	[smem:$0x3FB8] =	sst s10  }
0x38: {  	s10 =	sld [smem:$0x3FB9]  }
0x39: {  	_ = 	snop;
	(pc) =	sbr.ind lr, $3  }
0x3a: {  	_ = 	snop  }
0x3b: {  	_ = 	snop  }
0x3c: {  	p2 =	seq.s32 s10, $0x1;
	s10 =	sld [smem:$0x3FB8]  }
0x3d: {  	_ =	shalt  }
0x3e: {  	_ =	shalt  }
0x3f: {  	_ =	shalt  }
0x40: {  	_ =	shalt  }
0x41: {  	_ =	shalt  }
0x42: {  	_ =	shalt  }
0x43: {  	_ =	shalt  }
0x44: {  	_ =	shalt  }
0x45: {  	_ =	shalt  }
0x46: {  	_ =	shalt  }
0x47: {  	_ =	shalt  }
0x48: {  	_ =	shalt  }
0x49: {  	_ =	shalt  }
0x4a: {  	_ =	shalt  }
0x4b: {  	_ =	shalt  }
0x4c: {  	_ =	shalt  }
0x4d: {  	_ =	shalt  }
0x4e: {  	_ =	shalt  }
0x4f: {  	_ =	shalt  }
0x50: {  	_ =	shalt  }
0x51: {  	_ =	shalt  }
0x52: {  	_ =	shalt  }
0x53: {  	_ =	shalt  }
0x54: {  	_ =	shalt  }
0x55: {  	_ =	shalt  }
0x56: {  	_ =	shalt  }
0x57: {  	_ =	shalt  }
0x58: {  	_ =	shalt  }
0x59: {  	_ =	shalt  }
0x5a: {  	_ =	shalt  }
0x5b: {  	_ =	shalt  }
0x5c: {  	_ =	shalt  }
0x5d: {  	_ =	shalt  }
0x5e: {  	_ =	shalt  }
0x5f: {  	_ =	shalt  }
0x60: {  	_ =	shalt  }
0x61: {  	_ =	shalt  }
0x62: {  	_ =	shalt  }
0x63: {  	_ =	shalt  }
0x64: {  	_ =	shalt  }
0x65: {  	_ =	shalt  }
0x66: {  	_ =	shalt  }
0x67: {  	_ =	shalt  }
0x68: {  	_ =	shalt  }
0x69: {  	_ =	shalt  }
0x6a: {  	_ =	shalt  }
0x6b: {  	_ =	shalt  }
0x6c: {  	_ =	shalt  }
0x6d: {  	_ =	shalt  }
0x6e: {  	_ =	shalt  }
0x6f: {  	_ =	shalt  }
0x70: {  	_ =	shalt  }
0x71: {  	_ =	shalt  }
0x72: {  	_ =	shalt  }
0x73: {  	_ =	shalt  }
0x74: {  	_ =	shalt  }
0x75: {  	_ =	shalt  }
0x76: {  	_ =	shalt  }
0x77: {  	_ =	shalt  }
0x78: {  	_ =	shalt  }
0x79: {  	_ =	shalt  }
0x7a: {  	_ =	shalt  }
0x7b: {  	_ =	shalt  }
0x7c: {  	_ =	shalt  }
0x7d: {  	_ =	shalt  }
0x7e: {  	_ =	shalt  }
0x7f: {  	_ =	shalt  }
0x80: {  	_ =	shalt  }
0x81: {  	_ =	shalt  }
0x82: {  	_ =	shalt  }
0x83: {  	_ =	shalt  }
0x84: {  	_ =	shalt  }
0x85: {  	_ =	shalt  }
0x86: {  	_ =	shalt  }
0x87: {  	_ =	shalt  }
.Lfunc_end0:
.L_simem_size_0:
called_computation.2_lowered:
.L_overlay_start_0:
0x88: {  	s2 =	sld [smem:$0x3FD9]  }
0x89: {  	s3 =	sld [smem:$0x3FFE];
	_ =	sdelay $0x1  }
0x8a: {  	s1 =	srdreg.scid  }
0x8b: {  	s0 =	sand.u32 $0x1, s1  }
0x8c: {  	s17 =	sshll.u32 s0, $0xA;
	s2 =	sadd.s32 s3, s2  }
0x8d: {  	s2 =	sadd.s32 s2, s17  }
0x8e: {  	[smem:$0x3FC4] =	sst s2  }
0x8f: {  	_ = 	snop  }
0x90: {  	s2 =	sld [smem:$0x3FD0];
	(tm) =	ssettm $0x1  }
0x91: {  	s18 =	sld [smem:$0x3FFB];
	_ =	sdelay $0x3  }
0x92: {  	_ =	strace s18  }
0x93: {  	s3 =	sld [smem:$0x3FFC];
	_ =	sdelay $0x3  }
0x94: {  	_ =	strace s3  }
0x95: {  	s3 =	sld [smem:$0x3FFD];
	_ =	sdelay $0x3  }
0x96: {  	_ =	strace s3  }
0x97: {  	_ =	strace $0x8FFFFFFF  }
0x98: {  	s19 =	sld [smem:$0x3FDB];
	_ =	sdelay $0x1  }
0x99: {  	s4 =	simm.s32 $_scs_section_size  }
0x9a: {  	s5 =	simm.s32 $_size__tile_overlayer_lowered;
	s6 =	simm.s32 $_tile_overlayer_lowered  }
0x9b: {  	s22 =	simm.s32 $0x1BFF;
	s21 =	sshll.u32 s6, $0x1;
	s3 =	sadd.s32 s4, s19  }
0x9c: {  	s7 =	simm.s32 $0x0;
	s20 =	sshll.u32 s5, $0x1;
	s5 =	sadd.s32 s21, s3  }
0x9d: {  	[timem:s7], [sflag:s22] =	dma.local [hbm:s5], s20  }
0x9e: {  	_ =	swait.ge [sflag:s22], s20  }
0x9f: {  	s4 =	ssub.s32 $0x0, s20;
	[sflag:s22] =	ssyncset.done $0x0  }
0xa0: {  	[sflag:s22] =	ssyncadd.s32 s4;
	_ =	sdelay $0x1  }
0xa1: {  	s23 =	simm.s32 $0x1B8B  }
0xa2: {  	_ =	swait.ge [sflag:s23], $0x1  }
0xa3: {  	[sflag:s23] =	ssyncset.done $0x0  }
0xa4: {  	s25 =	simm.s32 $0x1B8E;
	s24 =	sld [smem:$0x3FFE];
	[sflag:s23] =	ssyncadd.s32 $0xFFFFFFFF  }
0xa5: {  	s26 =	simm.s32 $execute0_lowered;
	[smem:$0x3FD2] =	sst s25  }
0xa6: {  	s5 =	sshll.u32 s26, $0x1;
	_ =	strace $0x80000049;
	[dreg:$0x1] =	wrdreg $0xFFFFFFFF  }
0xa7: {  	s28 =	simm.s32 $_size_execute0_lowered;
	s3 =	sadd.s32 s3, s5;
	[dreg:$0x0] =	wrdreg $0x0  }
0xa8: {  	s5 =	sshll.u32 s28, $0x1;
	[dreg:$0x2] =	wrdreg s3  }
0xa9: {  	[dreg:$0x3] =	wrdreg s5  }
0xaa: {  	[dreg:$0x4] =	wrdreg $0xC0  }
0xab: {  	_ =	task [dreg:s7], $0x5FFFF  }
0xac: {  	[dreg:$0x1] =	wrdreg $0xFFFFFFFF  }
0xad: {  	[dreg:$0x0] =	wrdreg $0x60  }
0xae: {  	[dreg:$0x2] =	wrdreg s24  }
0xaf: {  	[dreg:$0x3] =	wrdreg s2  }
0xb0: {  	[dreg:$0x4] =	wrdreg $0x9  }
0xb1: {  	_ =	task.clear_ibuf [dreg:s7], $0x5FFFF;
	_ =	strace $0x90000049  }
0xb2: {  	s29 =	simm.s32 $0x9;
	_ =	strace $0x8000004B  }
0xb3: {  	_ =	swait.ge [sflag:s29], $0x1  }
0xb4: {  	[sflag:s29] =	ssyncadd.s32 $0xFFFFFFFF  }
0xb5: {  	_ =	strace $0x9000004B  }
0xb6: {  	_ =	sfence  }
0xb7: {  	s30 =	sld [smem:$0x0];
	_ =	sdelay $0x2  }
0xb8: {  	s31 =	sshll.u32 s1, $0xD;
	s1 =	sshrl.u32 s1, $0x2  }
0xb9: {  	s3 =	sand.u32 $0x4000, s31;
	s1 =	sadd.s32 s1, s30  }
0xba: {  	s0 =	sor.u32 s3, s0;
	s1 =	sshll.u32 s1, $0x11  }
0xbb: {  	s0 =	sor.u32 s1, s0  }
0xbc: {  	s0 =	sadd.s32 $0x8F2B, s0  }
0xbd: {  	[sflag:s0] =	ssyncadd.remote.s32 $0x1  }
0xbe: {  	_ =	sfence.sel $0xFFFF  }
0xbf: {  	[dreg:$0x0] =	wrdreg $0xFFFFFFFF;
	(pc) =	sbr.abs _section_cstart, $3  }
0xc0: {  	[dreg:$0x1] =	wrdreg $0xFFFFFFFF  }
0xc1: {  	_ =	task.clear_ibuf [dreg:s7], $0x2FFFF;
	_ =	strace $0x9FFFFFFF  }
0xc2: {  	(tm) =	ssettm $0x7FFFFFFF  }
0xc3: {  	_ =	shalt  }
tec
execute0_lowered:
.L_overlay_start_1:
0x0: {  	(tag) =	ssettag $0x1  }
0x1: {  	s0 =	rddreg [dreg:$0x0];
	s1 =	srdreg.scid  }
0x2: {  	s12 =	stileid.u32;
	s3 =	rddreg [dreg:$0x1];
	s2 =	simm.s32 $0x0  }
0x3: {  	s13 =	simm.s32 $0x5;
	s14 =	simm.s32 $0x80;
	s15 =	simm.s32 $0x6400  }
0x4: {  	s16 =	simm.s32 $0x8400;
	s29 =	simm.s32 $0x14400;
	s31 =	simm.s32 $0x16400  }
0x5: {  	s28 =	simm.s32 $0x1A400;
	s1 =	sand.u32 $0x1, s1;
	s4 =	sshll.u32 s12, $0x1  }
0x6: {  	[smem:$0x7FF] =	sst s2;
	s17 =	sadd.s32 $0xF43600, s0;
	s5 =	sadd.s32 $0x1000, s0  }
0x7: {  	s21 =	smul.u32 $0xC800, s12;
	s6 =	sor.u32 s1, s4;
	_ =	strace $0x8000004A  }
0x8: {  	[dreg:$0x3] =	wrdreg s17;
	s7 =	ssub.s32 $0x2, s1;
	s1 =	smul.u32 $0x6400, s1  }
0x9: {  	s4 =	sshll.u32 s6, $0x4;
	s9 =	smul.u32 $0x6400, s6;
	s10 =	sshrl.u32 s7, $0x1  }
0xa: {  	s11 =	smul.u32 $0x64000, s6;
	s6 =	sshll.u32 s6, $0x7;
	s8 =	sadd.s32 s4, s0  }
0xb: {  	v3 =	vlaneseq.u32;
	s4 =	sadd.s32 $0xF43800, s0;
	s18 =	ssub.s32 s7, s10;
	s23 =	sor.u32 $0x10, s6  }
0xc: {  	v7 =	vmul.u32 $0xC8, v3;
	s24 =	sor.u32 $0x20, s6;
	s25 =	sor.u32 $0x30, s6;
	s17 =	sor.u32 $0x40, s6;
	v0 =	vmov s6;
	v1 =	vmov s23  }
0xd: {  	s1 =	sadd.s32 s1, s21;
	s26 =	sor.u32 $0x50, s6;
	s0 =	simm.s32 $0x18400;
	v0 =	vmul.u32 $0xC8, v0;
	v2 =	vmov s24;
	v3 =	vmov s25  }
0xe: {  	s21 =	simm.s32 $0x3;
	s19 =	sshrl.u32 s9, $0x3;
	s20 =	sadd.s32 s5, s11;
	v4 =	vmov s17;
	v5 =	vmov s26;
	v1 =	vmul.u32 $0xC8, v1  }
0xf: {  	s22 =	sadd.s32 $0xF43400, s8;
	s3 =	sadd.s32 s3, s19;
	s19 =	sor.u32 $0x60, s6;
	v2 =	vmul.u32 $0xC8, v2;
	v3 =	vmul.u32 $0xC8, v3;
	v4 =	vmul.u32 $0xC8, v4  }
0x10: {  	s1 =	sshll.u32 s1, $0x4;
	s10 =	smax.u32 s18, $0x1;
	s6 =	sor.u32 $0x70, s6;
	v5 =	vmul.u32 $0xC8, v5;
	v0 =	vbroadcast v0, $0x0;
	v6 =	vmov s19  }
0x11: {  	s18 =	simm.s32 $0xA400;
	s24 =	simm.s32 $0x10400;
	s26 =	simm.s32 $0x12400;
	v8 =	vmov s6;
	v1 =	vbroadcast v1, $0x0;
	v2 =	vbroadcast v2, $0x0  }
0x12: {  	s17 =	simm.s32 $0x1;
	s23 =	simm.s32 $0x2;
	[dreg:$0x5] =	wrdreg s20;
	v3 =	vbroadcast v3, $0x0;
	v6 =	vmul.u32 $0xC8, v6;
	v8 =	vmul.u32 $0xC8, v8  }
0x13: {  	s25 =	simm.s32 $0x4;
	s7 =	sadd.s32 $0x61800, s20;
	[dreg:$0x7] =	wrdreg s22;
	v4 =	vbroadcast v4, $0x0;
	v5 =	vbroadcast v5, $0x0;
	v0 =	vadd.s32 v7, v0  }
0x14: {  	s30 =	sadd.s32 s5, s1;
	s20 =	simm.s32 $0xC400;
	[dreg:$0x4] =	wrdreg s3;
	v1 =	vadd.s32 v7, v1;
	v6 =	vbroadcast v6, $0x0;
	v8 =	vbroadcast v8, $0x0  }
0x15: {  	s22 =	simm.s32 $0xE400;
	s1 =	simm.s32 $0x0;
	[dreg:$0x6] =	wrdreg s7;
	v2 =	vadd.s32 v7, v2;
	v3 =	vadd.s32 v7, v3;
	v4 =	vadd.s32 v7, v4  }
0x16: {  	s11 =	sadd.s32 $0x2800, s30;
	s8 =	sadd.s32 $0x5000, s30;
	s19 =	simm.s32 $0x40;
	v5 =	vadd.s32 v7, v5;
	v6 =	vadd.s32 v7, v6;
	v7 =	vadd.s32 v7, v8  }
.LBB2_1:
0x17: {  	s3 =	rddreg [dreg:$0x4]  }
0x18: {  	[tilespmem:s2], [sflag:$0x5] =	stream.linear.gather [hbm4b:s3+s2], $0x6400, $0x38;
	[tilespmem:$0x1E480] =	vst v63  }
0x19: {  	_ =	swait.ge [sflag:s13], $0x6400  }
0x1a: {  	[sflag:s13] =	ssyncset.done $0x0  }
0x1b: {  	[sflag:s13] =	ssyncadd.s32 $0xFFFF9C00  }
0x1c: {  	[tilespmem:s15], [sflag:$0x1] =	stream.indirect.gather [hbm4b:s4+s14], $0x40, s2, s14, $0xb8;
	[tilespmem:$0x1E480] =	vst v63  }
0x1d: {  	_ = 	snop  }
0x1e: {  	[tilespmem:s16], [sflag:$0x1] =	stream.indirect.gather [hbm4b:s4+s14], $0x40, s14, s14, $0xb8;
	[tilespmem:$0x1E480] =	vst v63  }
0x1f: {  	s7 =	simm.s32 $0x100  }
0x20: {  	[tilespmem:s18], [sflag:$0x1] =	stream.indirect.gather [hbm4b:s4+s14], $0x40, s7, s14, $0xb8;
	[tilespmem:$0x1E480] =	vst v63  }
0x21: {  	s9 =	simm.s32 $0x180  }
0x22: {  	[tilespmem:s20], [sflag:$0x1] =	stream.indirect.gather [hbm4b:s4+s14], $0x40, s9, s14, $0xb8;
	[tilespmem:$0x1E480] =	vst v63  }
0x23: {  	s12 =	simm.s32 $0x200  }
0x24: {  	[tilespmem:s22], [sflag:$0x1] =	stream.indirect.gather [hbm4b:s4+s14], $0x40, s12, s14, $0xb8;
	[tilespmem:$0x1E480] =	vst v63  }
0x25: {  	s6 =	simm.s32 $0x280  }
0x26: {  	[tilespmem:s24], [sflag:$0x2] =	stream.indirect.gather [hbm4b:s4+s14], $0x40, s6, s14, $0xb8;
	[tilespmem:$0x1E480] =	vst v63  }
0x27: {  	s7 =	simm.s32 $0x300  }
0x28: {  	[tilespmem:s26], [sflag:$0x2] =	stream.indirect.gather [hbm4b:s4+s14], $0x40, s7, s14, $0xb8;
	[tilespmem:$0x1E480] =	vst v63  }
0x29: {  	s9 =	simm.s32 $0x380  }
0x2a: {  	[tilespmem:s29], [sflag:$0x2] =	stream.indirect.gather [hbm4b:s4+s14], $0x40, s9, s14, $0xb8;
	[tilespmem:$0x1E480] =	vst v63  }
0x2b: {  	s12 =	simm.s32 $0x400  }
0x2c: {  	[tilespmem:s31], [sflag:$0x2] =	stream.indirect.gather [hbm4b:s4+s14], $0x40, s12, s14, $0xb8;
	[tilespmem:$0x1E480] =	vst v63  }
0x2d: {  	s6 =	simm.s32 $0x480  }
0x2e: {  	[tilespmem:s0], [sflag:$0x2] =	stream.indirect.gather [hbm4b:s4+s14], $0x40, s6, s14, $0xb8;
	[tilespmem:$0x1E480] =	vst v63  }
0x2f: {  	_ =	swait.ge [sflag:s17], $0x2000  }
0x30: {  	[sflag:s17] =	ssyncset.done $0x0  }
0x31: {  	[sflag:s17] =	ssyncadd.s32 $0xFFFFE000  }
0x32: {  	_ =	swait.ge [sflag:s17], $0x2000  }
0x33: {  	[sflag:s17] =	ssyncset.done $0x0  }
0x34: {  	[sflag:s17] =	ssyncadd.s32 $0xFFFFE000  }
0x35: {  	_ =	swait.ge [sflag:s17], $0x2000  }
0x36: {  	[sflag:s17] =	ssyncset.done $0x0  }
0x37: {  	[sflag:s17] =	ssyncadd.s32 $0xFFFFE000  }
0x38: {  	_ =	swait.ge [sflag:s17], $0x2000  }
0x39: {  	[sflag:s17] =	ssyncset.done $0x0  }
0x3a: {  	[sflag:s17] =	ssyncadd.s32 $0xFFFFE000  }
0x3b: {  	_ =	swait.ge [sflag:s17], $0x2000  }
0x3c: {  	[sflag:s17] =	ssyncset.done $0x0  }
0x3d: {  	s7 =	rddreg [dreg:$0x5];
	[sflag:s17] =	ssyncadd.s32 $0xFFFFE000  }
0x3e: {  	[hbm4b:s7+s19] =	stream.strided.scatter [tilespmem:s15], [sflag:$0x3], $0xA000, s14, s19, $0x38;
	[tilespmem:$0x1E480] =	vst v63  }
0x3f: {  	_ =	swait.ge [sflag:s21], $0xA000  }
0x40: {  	[sflag:s21] =	ssyncset.done $0x0  }
0x41: {  	s9 =	simm.s32 $0x500;
	[sflag:s21] =	ssyncadd.s32 $0xFFFF6000  }
0x42: {  	[tilespmem:s15], [sflag:$0x1] =	stream.indirect.gather [hbm4b:s4+s14], $0x40, s9, s14, $0xb8;
	[tilespmem:$0x1E480] =	vst v63  }
0x43: {  	s12 =	simm.s32 $0x580  }
0x44: {  	[tilespmem:s16], [sflag:$0x1] =	stream.indirect.gather [hbm4b:s4+s14], $0x40, s12, s14, $0xb8;
	[tilespmem:$0x1E480] =	vst v63  }
0x45: {  	s6 =	simm.s32 $0x600  }
0x46: {  	[tilespmem:s18], [sflag:$0x1] =	stream.indirect.gather [hbm4b:s4+s14], $0x40, s6, s14, $0xb8;
	[tilespmem:$0x1E480] =	vst v63  }
0x47: {  	s7 =	simm.s32 $0x680  }
0x48: {  	[tilespmem:s20], [sflag:$0x1] =	stream.indirect.gather [hbm4b:s4+s14], $0x40, s7, s14, $0xb8;
	[tilespmem:$0x1E480] =	vst v63  }
0x49: {  	s9 =	simm.s32 $0x700  }
0x4a: {  	[tilespmem:s22], [sflag:$0x1] =	stream.indirect.gather [hbm4b:s4+s14], $0x40, s9, s14, $0xb8;
	[tilespmem:$0x1E480] =	vst v63  }
0x4b: {  	_ =	swait.ge [sflag:s23], $0x2000  }
0x4c: {  	[sflag:s23] =	ssyncset.done $0x0  }
0x4d: {  	[sflag:s23] =	ssyncadd.s32 $0xFFFFE000  }
0x4e: {  	_ =	swait.ge [sflag:s23], $0x2000  }
0x4f: {  	[sflag:s23] =	ssyncset.done $0x0  }
0x50: {  	[sflag:s23] =	ssyncadd.s32 $0xFFFFE000  }
0x51: {  	_ =	swait.ge [sflag:s23], $0x2000  }
0x52: {  	[sflag:s23] =	ssyncset.done $0x0  }
0x53: {  	[sflag:s23] =	ssyncadd.s32 $0xFFFFE000  }
0x54: {  	_ =	swait.ge [sflag:s23], $0x2000  }
0x55: {  	[sflag:s23] =	ssyncset.done $0x0  }
0x56: {  	[sflag:s23] =	ssyncadd.s32 $0xFFFFE000  }
0x57: {  	_ =	swait.ge [sflag:s23], $0x2000  }
0x58: {  	[sflag:s23] =	ssyncset.done $0x0  }
0x59: {  	[sflag:s23] =	ssyncadd.s32 $0xFFFFE000  }
0x5a: {  	[hbm4b:s11+s19] =	stream.strided.scatter [tilespmem:s24], [sflag:$0x4], $0xA000, s14, s19, $0x38;
	[tilespmem:$0x1E480] =	vst v63  }
0x5b: {  	_ =	swait.ge [sflag:s25], $0xA000  }
0x5c: {  	[sflag:s25] =	ssyncset.done $0x0  }
0x5d: {  	s12 =	simm.s32 $0x780;
	[sflag:s25] =	ssyncadd.s32 $0xFFFF6000  }
0x5e: {  	[tilespmem:s24], [sflag:$0x2] =	stream.indirect.gather [hbm4b:s4+s14], $0x40, s12, s14, $0xb8;
	[tilespmem:$0x1E480] =	vst v63  }
0x5f: {  	s6 =	simm.s32 $0x800  }
0x60: {  	[tilespmem:s26], [sflag:$0x2] =	stream.indirect.gather [hbm4b:s4+s14], $0x40, s6, s14, $0xb8;
	[tilespmem:$0x1E480] =	vst v63  }
0x61: {  	s7 =	simm.s32 $0x880  }
0x62: {  	[tilespmem:s29], [sflag:$0x2] =	stream.indirect.gather [hbm4b:s4+s14], $0x40, s7, s14, $0xb8;
	[tilespmem:$0x1E480] =	vst v63  }
0x63: {  	s9 =	simm.s32 $0x900  }
0x64: {  	[tilespmem:s31], [sflag:$0x2] =	stream.indirect.gather [hbm4b:s4+s14], $0x40, s9, s14, $0xb8;
	[tilespmem:$0x1E480] =	vst v63  }
0x65: {  	s12 =	simm.s32 $0x980  }
0x66: {  	[tilespmem:s0], [sflag:$0x2] =	stream.indirect.gather [hbm4b:s4+s14], $0x40, s12, s14, $0xb8;
	[tilespmem:$0x1E480] =	vst v63  }
0x67: {  	_ =	swait.ge [sflag:s17], $0x2000  }
0x68: {  	[sflag:s17] =	ssyncset.done $0x0  }
0x69: {  	[sflag:s17] =	ssyncadd.s32 $0xFFFFE000  }
0x6a: {  	_ =	swait.ge [sflag:s17], $0x2000  }
0x6b: {  	[sflag:s17] =	ssyncset.done $0x0  }
0x6c: {  	[sflag:s17] =	ssyncadd.s32 $0xFFFFE000  }
0x6d: {  	_ =	swait.ge [sflag:s17], $0x2000  }
0x6e: {  	[sflag:s17] =	ssyncset.done $0x0  }
0x6f: {  	[sflag:s17] =	ssyncadd.s32 $0xFFFFE000  }
0x70: {  	_ =	swait.ge [sflag:s17], $0x2000  }
0x71: {  	[sflag:s17] =	ssyncset.done $0x0  }
0x72: {  	[sflag:s17] =	ssyncadd.s32 $0xFFFFE000  }
0x73: {  	_ =	swait.ge [sflag:s17], $0x2000  }
0x74: {  	s30 =	simm.s32 $0x1400;
	s3 =	sadd.s32 $0x5000, s11;
	[sflag:s17] =	ssyncset.done $0x0  }
0x75: {  	s6 =	sadd.s32 $0x5000, s8;
	s12 =	smov.u32 s8;
	[sflag:s17] =	ssyncadd.s32 $0xFFFFE000  }
.LBB2_2:
0x76: {  	[hbm4b:s12+s19] =	stream.strided.scatter [tilespmem:s15], [sflag:$0x3], $0xA000, s14, s19, $0x38;
	[tilespmem:$0x1E480] =	vst v63  }
0x77: {  	s9 =	smov.u32 s30;
	s12 =	smov.u32 s6  }
0x78: {  	p0 =	sne.s32 s30, $0x16800;
	s30 =	sadd.s32 $0x1400, s30;
	_ =	swait.ge [sflag:s21], $0xA000  }
0x79: {  	s9 =	sshra.s32 s9, $0x2;
	[sflag:s21] =	ssyncset.done $0x0  }
0x7a: {  	s7 =	sadd.s32 $0x500, s9;
	[sflag:s21] =	ssyncadd.s32 $0xFFFF6000  }
0x7b: {  	[tilespmem:s15], [sflag:$0x1] =	stream.indirect.gather [hbm4b:s4+s14], $0x40, s7, s14, $0xb8;
	[tilespmem:$0x1E480] =	vst v63  }
0x7c: {  	s7 =	sadd.s32 $0x580, s9  }
0x7d: {  	[tilespmem:s16], [sflag:$0x1] =	stream.indirect.gather [hbm4b:s4+s14], $0x40, s7, s14, $0xb8;
	[tilespmem:$0x1E480] =	vst v63  }
0x7e: {  	s7 =	sadd.s32 $0x600, s9  }
0x7f: {  	[tilespmem:s18], [sflag:$0x1] =	stream.indirect.gather [hbm4b:s4+s14], $0x40, s7, s14, $0xb8;
	[tilespmem:$0x1E480] =	vst v63  }
0x80: {  	s7 =	sadd.s32 $0x680, s9  }
0x81: {  	[tilespmem:s20], [sflag:$0x1] =	stream.indirect.gather [hbm4b:s4+s14], $0x40, s7, s14, $0xb8;
	[tilespmem:$0x1E480] =	vst v63  }
0x82: {  	s7 =	sadd.s32 $0x700, s9  }
0x83: {  	[tilespmem:s22], [sflag:$0x1] =	stream.indirect.gather [hbm4b:s4+s14], $0x40, s7, s14, $0xb8;
	[tilespmem:$0x1E480] =	vst v63  }
0x84: {  	_ =	swait.ge [sflag:s23], $0x2000  }
0x85: {  	[sflag:s23] =	ssyncset.done $0x0  }
0x86: {  	[sflag:s23] =	ssyncadd.s32 $0xFFFFE000  }
0x87: {  	_ =	swait.ge [sflag:s23], $0x2000  }
0x88: {  	[sflag:s23] =	ssyncset.done $0x0  }
0x89: {  	[sflag:s23] =	ssyncadd.s32 $0xFFFFE000  }
0x8a: {  	_ =	swait.ge [sflag:s23], $0x2000  }
0x8b: {  	[sflag:s23] =	ssyncset.done $0x0  }
0x8c: {  	[sflag:s23] =	ssyncadd.s32 $0xFFFFE000  }
0x8d: {  	_ =	swait.ge [sflag:s23], $0x2000  }
0x8e: {  	[sflag:s23] =	ssyncset.done $0x0  }
0x8f: {  	[sflag:s23] =	ssyncadd.s32 $0xFFFFE000  }
0x90: {  	_ =	swait.ge [sflag:s23], $0x2000  }
0x91: {  	[sflag:s23] =	ssyncset.done $0x0  }
0x92: {  	[sflag:s23] =	ssyncadd.s32 $0xFFFFE000  }
0x93: {  	[hbm4b:s3+s19] =	stream.strided.scatter [tilespmem:s24], [sflag:$0x4], $0xA000, s14, s19, $0x38;
	[tilespmem:$0x1E480] =	vst v63  }
0x94: {  	_ =	swait.ge [sflag:s25], $0xA000  }
0x95: {  	[sflag:s25] =	ssyncset.done $0x0  }
0x96: {  	s7 =	sadd.s32 $0x780, s9;
	[sflag:s25] =	ssyncadd.s32 $0xFFFF6000  }
0x97: {  	[tilespmem:s24], [sflag:$0x2] =	stream.indirect.gather [hbm4b:s4+s14], $0x40, s7, s14, $0xb8;
	[tilespmem:$0x1E480] =	vst v63  }
0x98: {  	s7 =	sadd.s32 $0x800, s9  }
0x99: {  	[tilespmem:s26], [sflag:$0x2] =	stream.indirect.gather [hbm4b:s4+s14], $0x40, s7, s14, $0xb8;
	[tilespmem:$0x1E480] =	vst v63  }
0x9a: {  	s7 =	sadd.s32 $0x880, s9  }
0x9b: {  	[tilespmem:s29], [sflag:$0x2] =	stream.indirect.gather [hbm4b:s4+s14], $0x40, s7, s14, $0xb8;
	[tilespmem:$0x1E480] =	vst v63  }
0x9c: {  	s7 =	sadd.s32 $0x900, s9  }
0x9d: {  	[tilespmem:s31], [sflag:$0x2] =	stream.indirect.gather [hbm4b:s4+s14], $0x40, s7, s14, $0xb8;
	[tilespmem:$0x1E480] =	vst v63  }
0x9e: {  	s7 =	sadd.s32 $0x980, s9  }
0x9f: {  	[tilespmem:s0], [sflag:$0x2] =	stream.indirect.gather [hbm4b:s4+s14], $0x40, s7, s14, $0xb8;
	[tilespmem:$0x1E480] =	vst v63  }
0xa0: {  	_ =	swait.ge [sflag:s17], $0x2000  }
0xa1: {  	[sflag:s17] =	ssyncset.done $0x0  }
0xa2: {  	[sflag:s17] =	ssyncadd.s32 $0xFFFFE000  }
0xa3: {  	_ =	swait.ge [sflag:s17], $0x2000  }
0xa4: {  	[sflag:s17] =	ssyncset.done $0x0  }
0xa5: {  	[sflag:s17] =	ssyncadd.s32 $0xFFFFE000  }
0xa6: {  	_ =	swait.ge [sflag:s17], $0x2000  }
0xa7: {  	[sflag:s17] =	ssyncset.done $0x0  }
0xa8: {  	[sflag:s17] =	ssyncadd.s32 $0xFFFFE000  }
0xa9: {  	_ =	swait.ge [sflag:s17], $0x2000  }
.Ltmp0:
0xaa: {  	[sflag:s17] =	ssyncset.done $0x0;
	(pc) =	sbr.rel @p0 .LBB2_2-.Ltmp0, $4  }
0xab: {  	[sflag:s17] =	ssyncadd.s32 $0xFFFFE000  }
0xac: {  	_ =	swait.ge [sflag:s17], $0x2000  }
0xad: {  	[sflag:s17] =	ssyncset.done $0x0  }
0xae: {  	s6 =	sadd.s32 $0x5000, s6;
	s3 =	sadd.s32 $0x5000, s3;
	[sflag:s17] =	ssyncadd.s32 $0xFFFFE000  }
0xaf: {  	[hbm4b:s12+s19] =	stream.strided.scatter [tilespmem:s15], [sflag:$0x3], $0xA000, s14, s19, $0x38;
	[tilespmem:$0x1E480] =	vst v63  }
0xb0: {  	_ =	swait.ge [sflag:s23], $0x2000  }
0xb1: {  	[sflag:s23] =	ssyncset.done $0x0  }
0xb2: {  	[sflag:s23] =	ssyncadd.s32 $0xFFFFE000  }
0xb3: {  	_ =	swait.ge [sflag:s23], $0x2000  }
0xb4: {  	[sflag:s23] =	ssyncset.done $0x0  }
0xb5: {  	[sflag:s23] =	ssyncadd.s32 $0xFFFFE000  }
0xb6: {  	_ =	swait.ge [sflag:s23], $0x2000  }
0xb7: {  	[sflag:s23] =	ssyncset.done $0x0  }
0xb8: {  	[sflag:s23] =	ssyncadd.s32 $0xFFFFE000  }
0xb9: {  	_ =	swait.ge [sflag:s23], $0x2000  }
0xba: {  	[sflag:s23] =	ssyncset.done $0x0  }
0xbb: {  	[sflag:s23] =	ssyncadd.s32 $0xFFFFE000  }
0xbc: {  	_ =	swait.ge [sflag:s23], $0x2000  }
0xbd: {  	[sflag:s23] =	ssyncset.done $0x0  }
0xbe: {  	s3 =	rddreg [dreg:$0x6];
	[sflag:s23] =	ssyncadd.s32 $0xFFFFE000  }
0xbf: {  	[hbm4b:s3+s19] =	stream.strided.scatter [tilespmem:s24], [sflag:$0x4], $0xA000, s14, s19, $0x38;
	[tilespmem:$0x1E480] =	vst v63  }
0xc0: {  	_ =	swait.ge [sflag:s21], $0xA000  }
0xc1: {  	[sflag:s21] =	ssyncset.done $0x0  }
0xc2: {  	[sflag:s21] =	ssyncadd.s32 $0xFFFF6000  }
0xc3: {  	_ =	swait.ge [sflag:s25], $0xA000  }
0xc4: {  	[sflag:s25] =	ssyncset.done $0x0  }
0xc5: {  	s9 =	rddreg [dreg:$0x7];
	[sflag:s25] =	ssyncadd.s32 $0xFFFF6000  }
0xc6: {  	[tilespmem:s2], [sflag:$0x5] =	stream.linear.gather [hbm4b:s9+s2], $0x80, $0x38;
	[tilespmem:$0x1E480] =	vst v63  }
0xc7: {  	_ =	swait.ge [sflag:s13], $0x80  }
0xc8: {  	[sflag:s13] =	ssyncset.done $0x0  }
0xc9: {  	s12 =	rddreg [dreg:$0x3];
	[sflag:s13] =	ssyncadd.s32 $0xFFFFFF80  }
0xca: {  	[tilespmem:s28], [sflag:$0x1] =	stream.indirect.gather [hbm4b:s12+s14], $0x80, s2, s14, $0xb8;
	[tilespmem:$0x1E480] =	vst v63  }
0xcb: {  	_ =	swait.ge [sflag:s17], $0x4000  }
0xcc: {  	[sflag:s17] =	ssyncset.done $0x0  }
0xcd: {  	[sflag:s17] =	ssyncadd.s32 $0xFFFFC000  }
0xce: {  	[tilespmem:$0x1E400] =	vst v0  }
0xcf: {  	[tilespmem:$0x1E410] =	vst v1  }
0xd0: {  	[tilespmem:$0x1E420] =	vst v2  }
0xd1: {  	[tilespmem:$0x1E430] =	vst v3  }
0xd2: {  	[tilespmem:$0x1E440] =	vst v4  }
0xd3: {  	s1 =	sadd.s32 $0x1, s1;
	[tilespmem:$0x1E450] =	vst v5  }
0xd4: {  	p0 =	sne.s32 s1, s10;
	[tilespmem:$0x1E460] =	vst v6  }
.Ltmp1:
0xd5: {  	s30 =	simm.s32 $0x1E400;
	[tilespmem:$0x1E470] =	vst v7;
	(pc) =	sbr.rel @p0 .LBB2_1-.Ltmp1, $4  }
0xd6: {  	[hbm4b:s5+s14] =	stream.indirect.scatter [tilespmem:s28], [sflag:$0x1], $0x80, s30, s14, $0xb8;
	[tilespmem:$0x1E480] =	vst v63  }
0xd7: {  	_ =	swait.ge [sflag:s17], $0x4000  }
0xd8: {  	[sflag:s17] =	ssyncset.done $0x0  }
0xd9: {  	[sflag:s17] =	ssyncadd.s32 $0xFFFFC000  }
0xda: {  	_ =	sfence.sel $0x180000  }
0xdb: {  	[bflag:$0x0] =	sbarrier.arrive $0xFFFF  }
0xdc: {  	_ =	strace $0x9000004A  }
0xdd: {  	s0 =	stileid.u32;
	[bflag:$0x2] =	sbarrier.arrive $0xFFFF  }
0xde: {  	p0 =	sne.s32 s0, $0x0;
	s0 =	rddreg [dreg:$0x2]  }
0xdf: {  	s0 =	sadd.s32 @!p0 $0x100000, s0  }
0xe0: {  	[sflag:s0] =	ssyncadd.tile.s32 @!p0 $0x1;
	_ =	shalt  }
.Lfunc_end2:
_tile_overlayer_lowered:
.L_overlay_start_2:
0xe1: {  	(tag) =	ssettag $0x2  }
0xe2: {  	s0 =	rddreg [dreg:$0x0];
	s2 =	stileid.u32  }
0xe3: {  	s1 =	rddreg [dreg:$0x1];
	p0 =	sne.s32 s2, $0x0  }
0xe4: {  	s3 =	rddreg [dreg:$0x2];
	[bflag:$0x3] =	sbarrier.arrive $0xFFFF;
	s2 =	simm.s32 @!p0 $0x1C05  }
0xe5: {  	[timem:s3], [sflag:s2] =	dma.local @!p0 [hbm:s0], s1  }
0xe6: {  	s0 =	simm.s32 @!p0 $0x5  }
0xe7: {  	_ =	swait.ge @!p0 [sflag:s0], s1  }
0xe8: {  	s1 =	ssub.s32 @!p0 $0x0, s1;
	[sflag:s0] =	ssyncset.done @!p0 $0x0  }
0xe9: {  	[sflag:s0] =	ssyncadd.s32 @!p0 s1  }
0xea: {  	[bflag:$0x3] =	sbarrier.arrive $0xFFFF  }
0xeb: {  	_ =	shalt  }

// kernel: sparse-core-data-format-call.1.cloned.1.call-start
scs
called_computation.1_lowered:
.L_overlay_start_0:
0x0: {  	s2 =	sld [smem:$0x3FD9]  }
0x1: {  	s3 =	sld [smem:$0x3FFE];
	_ =	sdelay $0x1  }
0x2: {  	s1 =	srdreg.scid  }
0x3: {  	s0 =	sand.u32 $0x1, s1  }
0x4: {  	s18 =	sshll.u32 s0, $0xA;
	s2 =	sadd.s32 s3, s2  }
0x5: {  	s2 =	sadd.s32 s2, s18  }
0x6: {  	[smem:$0x3FC4] =	sst s2  }
0x7: {  	_ = 	snop  }
0x8: {  	s2 =	sld [smem:$0x3FC6];
	(tm) =	ssettm $0x1  }
0x9: {  	s19 =	sld [smem:$0x3FFB];
	_ =	sdelay $0x3  }
0xa: {  	_ =	strace s19  }
0xb: {  	s3 =	sld [smem:$0x3FFC];
	_ =	sdelay $0x3  }
0xc: {  	_ =	strace s3  }
0xd: {  	s3 =	sld [smem:$0x3FFD];
	_ =	sdelay $0x3  }
0xe: {  	_ =	strace s3  }
0xf: {  	_ =	strace $0x8FFFFFFF  }
0x10: {  	s20 =	sld [smem:$0x3FDB];
	_ =	sdelay $0x1  }
0x11: {  	s4 =	simm.s32 $_scs_section_size  }
0x12: {  	s5 =	simm.s32 $_size__tile_overlayer_lowered;
	s6 =	simm.s32 $_tile_overlayer_lowered  }
0x13: {  	s23 =	simm.s32 $0x1BFF;
	s22 =	sshll.u32 s6, $0x1;
	s3 =	sadd.s32 s4, s20  }
0x14: {  	s7 =	simm.s32 $0x0;
	s21 =	sshll.u32 s5, $0x1;
	s5 =	sadd.s32 s22, s3  }
0x15: {  	[timem:s7], [sflag:s23] =	dma.local [hbm:s5], s21  }
0x16: {  	_ =	swait.ge [sflag:s23], s21  }
0x17: {  	s4 =	ssub.s32 $0x0, s21;
	[sflag:s23] =	ssyncset.done $0x0  }
0x18: {  	[sflag:s23] =	ssyncadd.s32 s4;
	_ =	sdelay $0x1  }
0x19: {  	s24 =	simm.s32 $0x1B8B  }
0x1a: {  	_ =	swait.ge [sflag:s24], $0x1  }
0x1b: {  	[sflag:s24] =	ssyncset.done $0x0  }
0x1c: {  	s26 =	simm.s32 $0x1B8E;
	s25 =	sld [smem:$0x3FFE];
	[sflag:s24] =	ssyncadd.s32 $0xFFFFFFFF  }
0x1d: {  	s27 =	simm.s32 $execute0_lowered;
	[smem:$0x3FD2] =	sst s26  }
0x1e: {  	s5 =	sshll.u32 s27, $0x1;
	_ =	strace $0x80000046;
	[dreg:$0x1] =	wrdreg $0xFFFFFFFF  }
0x1f: {  	s28 =	simm.s32 $_size_execute0_lowered;
	s3 =	sadd.s32 s3, s5;
	[dreg:$0x0] =	wrdreg $0x0  }
0x20: {  	s5 =	sshll.u32 s28, $0x1;
	[dreg:$0x2] =	wrdreg s3  }
0x21: {  	[dreg:$0x3] =	wrdreg s5  }
0x22: {  	[dreg:$0x4] =	wrdreg $0xC0  }
0x23: {  	_ =	task [dreg:s7], $0x5FFFF  }
0x24: {  	[dreg:$0x1] =	wrdreg $0xFFFFFFFF  }
0x25: {  	[dreg:$0x0] =	wrdreg $0x60  }
0x26: {  	[dreg:$0x2] =	wrdreg s2  }
0x27: {  	[dreg:$0x3] =	wrdreg s25  }
0x28: {  	[dreg:$0x4] =	wrdreg $0x9  }
0x29: {  	_ =	task.clear_ibuf [dreg:s7], $0x5FFFF;
	_ =	strace $0x90000046  }
0x2a: {  	s29 =	simm.s32 $0x9;
	_ =	strace $0x80000048  }
0x2b: {  	_ =	swait.ge [sflag:s29], $0x1  }
0x2c: {  	[sflag:s29] =	ssyncadd.s32 $0xFFFFFFFF  }
0x2d: {  	_ =	strace $0x90000048  }
0x2e: {  	_ =	sfence  }
0x2f: {  	s30 =	sld [smem:$0x0];
	_ =	sdelay $0x2  }
0x30: {  	s31 =	sshll.u32 s1, $0xD;
	s1 =	sshrl.u32 s1, $0x2  }
0x31: {  	s3 =	sand.u32 $0x4000, s31;
	s1 =	sadd.s32 s1, s30  }
0x32: {  	s0 =	sor.u32 s3, s0;
	s1 =	sshll.u32 s1, $0x11  }
0x33: {  	s0 =	sor.u32 s1, s0  }
0x34: {  	s0 =	sadd.s32 $0x8F2B, s0  }
0x35: {  	[sflag:s0] =	ssyncadd.remote.s32 $0x1  }
0x36: {  	_ =	sfence.sel $0xFFFF  }
0x37: {  	[dreg:$0x0] =	wrdreg $0xFFFFFFFF;
	(pc) =	sbr.abs _section_cstart, $3  }
0x38: {  	[dreg:$0x1] =	wrdreg $0xFFFFFFFF  }
0x39: {  	_ =	task.clear_ibuf [dreg:s7], $0x2FFFF;
	_ =	strace $0x9FFFFFFF  }
0x3a: {  	(tm) =	ssettm $0x7FFFFFFF  }
0x3b: {  	_ =	shalt  }
tec
execute0_lowered:
.L_overlay_start_1:
0x0: {  	(tag) =	ssettag $0x1  }
0x1: {  	s0 =	srdreg.scid;
	s2 =	rddreg [dreg:$0x0]  }
0x2: {  	s5 =	rddreg [dreg:$0x1];
	s1 =	stileid.u32  }
0x3: {  	s4 =	simm.s32 $0x1;
	s6 =	simm.s32 $0x2;
	s15 =	simm.s32 $0x0  }
0x4: {  	p0 =	por $0x0, $0x0;
	s8 =	simm.s32 $0x80;
	s0 =	sshll.u32 s0, $0x4  }
0x5: {  	s14 =	simm.s32 $0x0;
	s9 =	simm.s32 $0x0;
	s3 =	sand.u32 $0x10, s0  }
.Ltmp0:
0x6: {  	s10 =	simm.s32 $0x0;
	s3 =	sor.u32 s1, s3;
	(pc) =	sbr.rel .LBB1_1-.Ltmp0, $4  }
0x7: {  	s0 =	rddreg [dreg:$0x2];
	_ =	strace $0x80000047;
	s3 =	sshll.u32 s3, $0x7  }
0x8: {  	s12 =	simm.s32 $0x0;
	[sflag:s4] =	ssyncpa.u1 $0x0;
	s7 =	ssub.s32 $0xF4200, s3  }
0x9: {  	s13 =	simm.s32 $0x0;
	[sflag:s6] =	ssyncpa.u1 $0x0;
	s6 =	sshrl.u32 s7, $0xC  }
0xa: {  	s5 =	sadd.s32 $0x1000, s5;
	s11 =	smov.u32 s3;
	s7 =	sadd.s32 $0x2, s6  }
.LBB1_5:
0xb: {  	p1 =	slt.u32 s13, $0x2  }
0xc: {  	s17 =	smov.u32 s15;
	p2 =	sgt.s32 @!p1 s15, $0xF41C0;
	s16 =	sshra.s32 @!p1 s15, $0x1F  }
0xd: {  	p3 =	sgt.s32 @!p1 s14, $0x40;
	s18 =	sshra.s32 @!p1 s14, $0x1F;
	p2 =	por !p2, p1  }
0xe: {  	s15 =	sand.u32 @!p1 s16, s15;
	p3 =	por !p3, p1;
	s16 =	smov.u32 s14  }
0xf: {  	s14 =	sand.u32 @!p1 s18, s14;
	s17 =	simm.s32 @p2 $0xF41C0;
	s16 =	simm.s32 @p3 $0x40  }
0x10: {  	s15 =	ssub.s32 @!p1 s17, s15;
	s14 =	ssub.s32 @!p1 s16, s14  }
0x11: {  	s18 =	smov.u32 s12;
	s16 =	sadd.s32 @!p1 $0xFFF0BE40, s15;
	s17 =	sadd.s32 @!p1 $0xFFFFFFC0, s14  }
0x12: {  	s15 =	ssub.s32 @!p1 $0xF4240, s15;
	p2 =	sgt.s32 @!p1 s16, $0x7F;
	p3 =	sgt.s32 @!p1 s17, $0x3F  }
0x13: {  	s14 =	ssub.s32 @!p1 $0x80, s14;
	p2 =	por !p2, p1;
	p3 =	por !p3, p1  }
0x14: {  	s16 =	sadd.s32 $0x1000, s11;
	s15 =	simm.s32 @!p2 $0x0;
	s14 =	simm.s32 @!p3 $0x0  }
0x15: {  	p2 =	sgt.s32 s16, $0xF423F;
	s14 =	smul.u32 @!p1 s14, s15;
	s15 =	sadd.s32 $0x40, s12  }
0x16: {  	s18 =	smov.u32 @p2 s15  }
0x17: {  	s16 =	smov.u32 @p2 s3;
	p2 =	sgt.s32 s18, $0x3F  }
0x18: {  	s18 =	simm.s32 @p2 $0x0;
	p2 =	sne.s32 s13, s7  }
.Ltmp1:
0x19: {  	p0 =	por !p0, !p0;
	s17 =	simm.s32 @!p1 $0x2;
	(pc) =	sbr.rel @!p2 .LBB1_6-.Ltmp1, $4  }
0x1a: {  	s15 =	smov.u32 s9;
	s9 =	smov.u32 s11;
	s14 =	sand.u32 @!p1 $0x3FFFFFFF, s14  }
0x1b: {  	s11 =	smov.u32 s16;
	_ =	swait.ge @!p1 [sflag:s17], s14;
	s19 =	ssub.s32 @!p1 $0x0, s14  }
0x1c: {  	s14 =	smov.u32 s10;
	s13 =	sadd.s32 $0x1, s13;
	[sflag:s17] =	ssyncset.done @!p1 $0x0  }
0x1d: {  	s10 =	smov.u32 s12;
	s12 =	smov.u32 s18;
	[sflag:s17] =	ssyncadd.s32 @!p1 s19  }
.LBB1_1:
0x1e: {  	p1 =	sgt.u32 s13, s6  }
0x1f: {  	s16 =	sshrl.u32 @!p1 s12, $0x3  }
0x20: {  	s17 =	sshll.u32 @!p1 s11, $0x3;
	s16 =	smul.u32 @!p1 $0x7A1400, s16  }
0x21: {  	s18 =	sshll.u32 @!p1 s12, $0x7;
	s17 =	sand.u32 @!p1 $0xFFFFFC00, s17  }
0x22: {  	s16 =	sadd.s32 @!p1 s16, s17;
	s17 =	sand.u32 @!p1 $0x380, s18  }
0x23: {  	s18 =	sand.u32 @!p1 $0x7F, s11;
	s16 =	sor.u32 @!p1 s17, s16  }
0x24: {  	s17 =	sor.u32 @!p1 s18, s16  }
0x25: {  	s18 =	smulhi.u32 @!p1 $0x218D6287, s17;
	_ =	sdelay $0x1  }
0x26: {  	s16 =	smulhi.u32 @!p1 $0x218D6287, s16;
	s18 =	sshrl.u32 @!p1 s18, $0x11  }
0x27: {  	s18 =	smul.u32 @!p1 $0xF4280, s18  }
0x28: {  	s19 =	sxor.u32 @!p1 $0xFFFFFFFF, s13;
	s16 =	sshrl.u32 @!p1 s16, $0x11  }
0x29: {  	s19 =	sshll.u32 @!p1 s19, $0xD;
	s16 =	sand.u32 @!p1 $0x3F, s16;
	s17 =	ssub.s32 @!p1 s17, s18  }
0x2a: {  	s16 =	smul.u32 @!p1 $0x1E850, s16;
	s18 =	sshrl.u32 @!p1 s17, $0x3;
	s17 =	sand.u32 @!p1 $0x7, s17  }
0x2b: {  	s19 =	sand.u32 @!p1 $0x2000, s19;
	s18 =	sadd.s32 @!p1 s2, s18;
	s17 =	sshll.u32 @!p1 s17, $0x12  }
0x2c: {  	s16 =	sadd.s32 @!p1 s16, s18;
	s17 =	sor.u32 @!p1 $0x400, s17;
	s18 =	simm.s32 @!p1 $0x7A1400  }
0x2d: {  	[tilespmem:s19], [sflag:$0x1] =	stream.strided.gather @!p1 [hbm4b:s16+s17], $0x2000, s18, s17, $0x38;
	[tilespmem:$0x8100] =	vst v63  }
0x2e: {  	p1 =	seq.s32 s13, $0x0  }
0x2f: {  	p2 =	sge.u32 @!p1 s13, s7  }
0x30: {  	p1 =	por p1, p2  }
.Ltmp2:
0x31: {  	_ = 	snop;
	(pc) =	sbr.rel @p1 .LBB1_5-.Ltmp2, $1  }
0x32: {  	_ =	sdelay $0x3  }
0x33: {  	s16 =	simm.s32 $0x1  }
0x34: {  	_ =	swait.ge [sflag:s4], $0x2000;
	s16 =	simm.s32 @!p0 $0x0  }
0x35: {  	[sflag:s4] =	ssyncset.done $0x0;
	s17 =	sshll.u32 s16, $0xD  }
0x36: {  	[sflag:s4] =	ssyncadd.s32 $0xFFFFE000;
	s17 =	sor.u32 $0x40, s17  }
0x37: {  	s16 =	smul.u32 $0x8200, s16;
	v0 =	vld [tilespmem:s17+$0x30]  }
0x38: {  	v1 =	vld [tilespmem:s17+$0xFFFFFFD0]  }
0x39: {  	s16 =	sshrl.u32 s16, $0x2;
	v5 =	vld [tilespmem:s17+$0xFFFFFFE0]  }
0x3a: {  	v6 =	vld [tilespmem:s17+$0xFFFFFFF0];
	s19 =	sor.u32 $0x4000, s16  }
0x3b: {  	s31 =	sand.u32 $0x1, s13;
	v4 =	vld [tilespmem:s17+$0x0];
	s18 =	sadd.s32 $0x0, s19  }
0x3c: {  	v3 =	vld [tilespmem:s17+$0x10];
	s16 =	smul.u32 $0x8200, s31;
	[tilespmem:s18+$0x1C70 ss:$0x41] =	vst.msk $0xffff, v0  }
0x3d: {  	v2 =	vld [tilespmem:s17+$0x20];
	[tilespmem:s18+$0x410 ss:$0x41] =	vst.msk $0xffff, v1  }
0x3e: {  	s16 =	sshrl.u32 s16, $0x2;
	v1 =	vld [tilespmem:s17+$0xFFFFFFC0];
	[tilespmem:s18+$0x820 ss:$0x41] =	vst.msk $0xffff, v5;
	s17 =	sadd.s32 $0x80, s17  }
0x3f: {  	s20 =	simm.s32 $0x4;
	s21 =	simm.s32 $0x8;
	s16 =	sor.u32 $0x4000, s16;
	[tilespmem:s18+$0xC30 ss:$0x41] =	vst.msk $0xffff, v6;
	v0 =	vld [tilespmem:s17+$0x30]  }
.LBB1_3:
0x40: {  	p1 =	sne.s32 s21, $0xFC;
	v5 =	vld [tilespmem:s17+$0xFFFFFFD0];
	[tilespmem:s18+$0x1040 ss:$0x41] =	vst.msk $0xffff, v4  }
0x41: {  	v6 =	vld [tilespmem:s17+$0xFFFFFFE0];
	[tilespmem:s18+$0x1450 ss:$0x41] =	vst.msk $0xffff, v3  }
0x42: {  	s22 =	sshra.s32 s20, $0x2;
	s20 =	smov.u32 s21;
	v7 =	vld [tilespmem:s17+$0xFFFFFFF0];
	[tilespmem:s18+$0x1860 ss:$0x41] =	vst.msk $0xffff, v2  }
.Ltmp3:
0x43: {  	v4 =	vld [tilespmem:s17+$0x0];
	[tilespmem:s18+$0x0 ss:$0x41] =	vst.msk $0xffff, v1;
	s18 =	sadd.s32 s22, s19;
	(pc) =	sbr.rel @p1 .LBB1_3-.Ltmp3, $4  }
0x44: {  	v3 =	vld [tilespmem:s17+$0x10];
	[tilespmem:s18+$0x1C70 ss:$0x41] =	vst.msk $0xffff, v0  }
0x45: {  	[tilespmem:s18+$0x410 ss:$0x41] =	vst.msk $0xffff, v5;
	v2 =	vld [tilespmem:s17+$0x20]  }
0x46: {  	v1 =	vld [tilespmem:s17+$0xFFFFFFC0];
	[tilespmem:s18+$0x820 ss:$0x41] =	vst.msk $0xffff, v6;
	s17 =	sadd.s32 $0x80, s17  }
0x47: {  	s21 =	sadd.s32 $0x4, s21;
	v0 =	vld [tilespmem:s17+$0x30];
	[tilespmem:s18+$0xC30 ss:$0x41] =	vst.msk $0xffff, v7  }
0x48: {  	s21 =	sshll.u32 s9, $0x7;
	s22 =	sshll.u32 s10, $0x3;
	s20 =	sshra.s32 s20, $0x2  }
0x49: {  	p1 =	sgt.s32 s9, $0xF41C0;
	s30 =	sshra.s32 s9, $0x1F;
	s25 =	sshra.s32 s10, $0x1F  }
0x4a: {  	v5 =	vld [tilespmem:s17+$0xFFFFFFD0];
	s28 =	sshrl.u32 s10, $0x3;
	s23 =	sand.u32 $0xFFFFFC00, s21;
	s22 =	sand.u32 $0xFFFFFC00, s22  }
0x4b: {  	[tilespmem:s18+$0x1040 ss:$0x41] =	vst.msk $0xffff, v4;
	v58 =	vld [tilespmem:s17+$0xFFFFFFE0];
	s21 =	sand.u32 $0x380, s21;
	s19 =	sadd.s32 s20, s19;
	s22 =	sadd.s32 s22, s23  }
0x4c: {  	v59 =	vld [tilespmem:s17+$0xFFFFFFF0];
	[tilespmem:s18+$0x1450 ss:$0x41] =	vst.msk $0xffff, v3;
	s29 =	sor.u32 s21, s22;
	s21 =	smov.u32 s9;
	s22 =	sand.u32 s30, s9  }
0x4d: {  	v60 =	vld [tilespmem:s17+$0x0];
	[tilespmem:s18+$0x1860 ss:$0x41] =	vst.msk $0xffff, v2;
	s30 =	sand.u32 $0x7, s10;
	s20 =	sshrl.u32 s29, $0x7;
	s21 =	simm.s32 @!p1 $0xF41C0  }
0x4e: {  	v61 =	vld [tilespmem:s17+$0x10];
	[tilespmem:s18+$0x0 ss:$0x41] =	vst.msk $0xffff, v1;
	p1 =	sgt.s32 s10, $0x40;
	s24 =	ssub.s32 s21, s22;
	s21 =	smov.u32 s10  }
0x4f: {  	v62 =	vld [tilespmem:s17+$0x20];
	[tilespmem:s19+$0x1C70 ss:$0x41] =	vst.msk $0xffff, v0;
	s31 =	smulhi.u32 $0x218DEF5, s20;
	s22 =	sand.u32 s25, s10;
	s21 =	simm.s32 @!p1 $0x40  }
0x50: {  	v63 =	vld [tilespmem:s17+$0xFFFFFFC0];
	[tilespmem:s19+$0x410 ss:$0x41] =	vst.msk $0xffff, v5;
	s26 =	sadd.s32 $0xFFF0BE40, s24;
	s17 =	ssub.s32 $0xF4240, s24;
	s21 =	ssub.s32 s21, s22  }
0x51: {  	[tilespmem:s19+$0x820 ss:$0x41] =	vst.msk $0xffff, v58;
	s23 =	sshrl.u32 s31, $0xD;
	p1 =	sgt.s32 s26, $0x7F;
	s27 =	sadd.s32 $0xFFFFFFC0, s21  }
0x52: {  	[tilespmem:s19+$0xC30 ss:$0x41] =	vst.msk $0xffff, v59;
	s23 =	smul.u32 $0xF4240, s23;
	s18 =	ssub.s32 $0x80, s21;
	p2 =	sgt.s32 s27, $0x3F  }
.Ltmp4:
0x53: {  	[tilespmem:s19+$0x1040 ss:$0x41] =	vst.msk $0xffff, v60;
	s17 =	simm.s32 @p1 $0x0;
	s18 =	simm.s32 @p2 $0x0;
	(pc) =	sbr.rel .LBB1_5-.Ltmp4, $4  }
0x54: {  	s29 =	sand.u32 $0xF, s28;
	[tilespmem:s19+$0x1450 ss:$0x41] =	vst.msk $0xffff, v61;
	s20 =	ssub.s32 s20, s23;
	s17 =	smul.u32 s18, s17  }
0x55: {  	[tilespmem:s19+$0x1860 ss:$0x41] =	vst.msk $0xffff, v62;
	s21 =	sshll.u32 s30, $0x12;
	s20 =	sshll.u32 s20, $0x4;
	s18 =	sadd.s32 s5, s29  }
0x56: {  	[tilespmem:s19+$0x0 ss:$0x41] =	vst.msk $0xffff, v63;
	s31 =	sor.u32 $0x40, s21;
	s18 =	sadd.s32 s20, s18;
	s17 =	sand.u32 $0x3FFFFFFF, s17  }
0x57: {  	[hbm4b:s18+s31] =	stream.strided.scatter [tilespmem:s16], [sflag:$0x2], s17, s8, s31, $0x18;
	[tilespmem:$0x8100] =	vst v63  }
.LBB1_6:
0x58: {  	_ =	sfence.sel $0x180000  }
0x59: {  	s2 =	simm.s32 $0x1;
	[bflag:$0x0] =	sbarrier.arrive $0xFFFF  }
0x5a: {  	s31 =	simm.s32 $0x2;
	[sflag:s2] =	ssyncpa.u1 $0x1  }
0x5b: {  	[sflag:s31] =	ssyncpa.u1 $0x1  }
0x5c: {  	p0 =	sne.s32 s1, $0x0;
	_ =	strace $0x90000047  }
0x5d: {  	s0 =	sadd.s32 @!p0 $0x100000, s0;
	[bflag:$0x2] =	sbarrier.arrive $0xFFFF  }
0x5e: {  	[sflag:s0] =	ssyncadd.tile.s32 @!p0 $0x1;
	_ =	shalt  }
.Lfunc_end1:
_tile_overlayer_lowered:
.L_overlay_start_2:
0x5f: {  	(tag) =	ssettag $0x2  }
0x60: {  	s0 =	rddreg [dreg:$0x0];
	s2 =	stileid.u32  }
0x61: {  	s1 =	rddreg [dreg:$0x1];
	p0 =	sne.s32 s2, $0x0  }
0x62: {  	s3 =	rddreg [dreg:$0x2];
	[bflag:$0x3] =	sbarrier.arrive $0xFFFF;
	s2 =	simm.s32 @!p0 $0x1C01  }
0x63: {  	[timem:s3], [sflag:s2] =	dma.local @!p0 [hbm:s0], s1  }
0x64: {  	s0 =	simm.s32 @!p0 $0x1  }
0x65: {  	_ =	swait.ge @!p0 [sflag:s0], s1  }
0x66: {  	s1 =	ssub.s32 @!p0 $0x0, s1;
	[sflag:s0] =	ssyncset.done @!p0 $0x0  }
0x67: {  	[sflag:s0] =	ssyncadd.s32 @!p0 s1  }
0x68: {  	[bflag:$0x3] =	sbarrier.arrive $0xFFFF  }
0x69: {  	_ =	shalt  }

// kernel: sparse-core-data-format-call.cloned.1.call-start
scs
called_computation_lowered:
.L_overlay_start_0:
0x0: {  	s2 =	sld [smem:$0x3FD9]  }
0x1: {  	s3 =	sld [smem:$0x3FFE];
	_ =	sdelay $0x1  }
0x2: {  	s1 =	srdreg.scid  }
0x3: {  	s0 =	sand.u32 $0x1, s1  }
0x4: {  	s18 =	sshll.u32 s0, $0xA;
	s2 =	sadd.s32 s3, s2  }
0x5: {  	s2 =	sadd.s32 s2, s18  }
0x6: {  	[smem:$0x3FC4] =	sst s2  }
0x7: {  	_ = 	snop  }
0x8: {  	s2 =	sld [smem:$0x3FD0];
	(tm) =	ssettm $0x1  }
0x9: {  	s19 =	sld [smem:$0x3FFB];
	_ =	sdelay $0x3  }
0xa: {  	_ =	strace s19  }
0xb: {  	s3 =	sld [smem:$0x3FFC];
	_ =	sdelay $0x3  }
0xc: {  	_ =	strace s3  }
0xd: {  	s3 =	sld [smem:$0x3FFD];
	_ =	sdelay $0x3  }
0xe: {  	_ =	strace s3  }
0xf: {  	_ =	strace $0x8FFFFFFF  }
0x10: {  	s20 =	sld [smem:$0x3FDB];
	_ =	sdelay $0x1  }
0x11: {  	s4 =	simm.s32 $_scs_section_size  }
0x12: {  	s5 =	simm.s32 $_size__tile_overlayer_lowered;
	s6 =	simm.s32 $_tile_overlayer_lowered  }
0x13: {  	s23 =	simm.s32 $0x1BFF;
	s22 =	sshll.u32 s6, $0x1;
	s3 =	sadd.s32 s4, s20  }
0x14: {  	s7 =	simm.s32 $0x0;
	s21 =	sshll.u32 s5, $0x1;
	s5 =	sadd.s32 s22, s3  }
0x15: {  	[timem:s7], [sflag:s23] =	dma.local [hbm:s5], s21  }
0x16: {  	_ =	swait.ge [sflag:s23], s21  }
0x17: {  	s4 =	ssub.s32 $0x0, s21;
	[sflag:s23] =	ssyncset.done $0x0  }
0x18: {  	[sflag:s23] =	ssyncadd.s32 s4;
	_ =	sdelay $0x1  }
0x19: {  	s24 =	simm.s32 $0x1B8B  }
0x1a: {  	_ =	swait.ge [sflag:s24], $0x1  }
0x1b: {  	[sflag:s24] =	ssyncset.done $0x0  }
0x1c: {  	s26 =	simm.s32 $0x1B8E;
	s25 =	sld [smem:$0x3FFE];
	[sflag:s24] =	ssyncadd.s32 $0xFFFFFFFF  }
0x1d: {  	s27 =	simm.s32 $execute0_lowered;
	[smem:$0x3FD2] =	sst s26  }
0x1e: {  	s5 =	sshll.u32 s27, $0x1;
	_ =	strace $0x8000004C;
	[dreg:$0x1] =	wrdreg $0xFFFFFFFF  }
0x1f: {  	s28 =	simm.s32 $_size_execute0_lowered;
	s3 =	sadd.s32 s3, s5;
	[dreg:$0x0] =	wrdreg $0x0  }
0x20: {  	s5 =	sshll.u32 s28, $0x1;
	[dreg:$0x2] =	wrdreg s3  }
0x21: {  	[dreg:$0x3] =	wrdreg s5  }
0x22: {  	[dreg:$0x4] =	wrdreg $0xC0  }
0x23: {  	_ =	task [dreg:s7], $0x5FFFF  }
0x24: {  	[dreg:$0x1] =	wrdreg $0xFFFFFFFF  }
0x25: {  	[dreg:$0x0] =	wrdreg $0x60  }
0x26: {  	[dreg:$0x2] =	wrdreg s25  }
0x27: {  	[dreg:$0x3] =	wrdreg s2  }
0x28: {  	[dreg:$0x4] =	wrdreg $0x9  }
0x29: {  	_ =	task.clear_ibuf [dreg:s7], $0x5FFFF;
	_ =	strace $0x9000004C  }
0x2a: {  	s29 =	simm.s32 $0x9;
	_ =	strace $0x8000004E  }
0x2b: {  	_ =	swait.ge [sflag:s29], $0x1  }
0x2c: {  	[sflag:s29] =	ssyncadd.s32 $0xFFFFFFFF  }
0x2d: {  	_ =	strace $0x9000004E  }
0x2e: {  	_ =	sfence  }
0x2f: {  	s30 =	sld [smem:$0x0];
	_ =	sdelay $0x2  }
0x30: {  	s31 =	sshll.u32 s1, $0xD;
	s1 =	sshrl.u32 s1, $0x2  }
0x31: {  	s3 =	sand.u32 $0x4000, s31;
	s1 =	sadd.s32 s1, s30  }
0x32: {  	s0 =	sor.u32 s3, s0;
	s1 =	sshll.u32 s1, $0x11  }
0x33: {  	s0 =	sor.u32 s1, s0  }
0x34: {  	s0 =	sadd.s32 $0x8F2B, s0  }
0x35: {  	[sflag:s0] =	ssyncadd.remote.s32 $0x1  }
0x36: {  	_ =	sfence.sel $0xFFFF  }
0x37: {  	[dreg:$0x0] =	wrdreg $0xFFFFFFFF;
	(pc) =	sbr.abs _section_cstart, $3  }
0x38: {  	[dreg:$0x1] =	wrdreg $0xFFFFFFFF  }
0x39: {  	_ =	task.clear_ibuf [dreg:s7], $0x2FFFF;
	_ =	strace $0x9FFFFFFF  }
0x3a: {  	(tm) =	ssettm $0x7FFFFFFF  }
0x3b: {  	_ =	shalt  }
tec
execute0_lowered:
.L_overlay_start_1:
0x0: {  	(tag) =	ssettag $0x1  }
0x1: {  	s0 =	srdreg.scid  }
0x2: {  	s1 =	sshll.u32 s0, $0x4  }
0x3: {  	s0 =	stileid.u32;
	s1 =	sand.u32 $0x10, s1  }
0x4: {  	s1 =	sor.u32 s0, s1  }
0x5: {  	s6 =	rddreg [dreg:$0x0];
	s4 =	simm.s32 $0x1;
	s2 =	sshll.u32 s1, $0x7  }
0x6: {  	s7 =	simm.s32 $0x2;
	s12 =	simm.s32 $0x0;
	s1 =	ssub.s32 $0x1000, s2  }
0x7: {  	s8 =	simm.s32 $0x8000;
	s13 =	simm.s32 $0x0;
	s3 =	sand.u32 $0xF80, s1  }
0x8: {  	s9 =	simm.s32 $0x0;
	s5 =	sshrl.u32 s1, $0xC;
	p0 =	sne.s32 s3, $0x0  }
.Ltmp0:
0x9: {  	s1 =	rddreg [dreg:$0x2];
	s4 =	simm.s32 @!p0 $0x0;
	(pc) =	sbr.rel .LBB1_1-.Ltmp0, $4  }
0xa: {  	s11 =	simm.s32 $0x0;
	s3 =	rddreg [dreg:$0x1];
	s5 =	sadd.s32 s4, s5  }
0xb: {  	_ =	strace $0x8000004D;
	s4 =	simm.s32 $0x1;
	s5 =	smul.u32 $0xC8, s5  }
0xc: {  	s6 =	sadd.s32 $0x1000, s6;
	s10 =	smov.u32 s2;
	[sflag:s4] =	ssyncpa.u1 $0x0  }
0xd: {  	p0 =	por $0x0, $0x0;
	[sflag:s7] =	ssyncpa.u1 $0x0;
	s7 =	sor.u32 $0x1, s5  }
.LBB1_4:
0xe: {  	s16 =	sshll.u32 s13, $0x3;
	s17 =	sand.u32 $0x78, s13  }
0xf: {  	s30 =	sand.u32 $0x7E00, s13;
	s12 =	sshll.u32 s12, $0xF;
	s16 =	sand.u32 $0xC00, s16  }
0x10: {  	[tilespmem:s15+$0x810 ss:$0x81] =	vst.msk $0xffff, v2;
	s31 =	sand.u32 $0x7, s13;
	s16 =	sor.u32 s17, s16;
	s17 =	sadd.s32 s3, s30  }
0x11: {  	[tilespmem:s15+$0x1020 ss:$0x81] =	vst.msk $0xffff, v0;
	s13 =	sshll.u32 s31, $0x12;
	s12 =	sadd.s32 s12, s17;
	s16 =	sshrl.u32 s16, $0x3  }
0x12: {  	[tilespmem:s15+$0x0 ss:$0x81] =	vst.msk $0xffff, v1;
	s13 =	sor.u32 $0x400, s13;
	s12 =	sadd.s32 s16, s12  }
0x13: {  	[hbm4b:s12+s13] =	stream.strided.scatter [tilespmem:s14], [sflag:$0x2], $0x2000, s8, s13, $0x20;
	[tilespmem:$0x8080] =	vst v63  }
.LBB1_5:
0x14: {  	s14 =	sadd.s32 $0x1, s9  }
0x15: {  	s12 =	sadd.s32 $0x1000, s10;
	s16 =	smov.u32 s10;
	p2 =	sgt.s32 s14, $0xC7  }
0x16: {  	s16 =	smov.u32 @p2 s12  }
0x17: {  	s14 =	simm.s32 @p2 $0x0;
	p2 =	sgt.s32 s16, $0xFFF  }
0x18: {  	s16 =	smov.u32 @p2 s2;
	p2 =	sne.s32 s11, s7  }
.Ltmp1:
0x19: {  	p1 =	slt.u32 s11, $0x2;
	(pc) =	sbr.rel @!p2 .LBB1_6-.Ltmp1, $4  }
0x1a: {  	s15 =	simm.s32 @!p1 $0x2  }
0x1b: {  	s13 =	smov.u32 s10;
	p0 =	por !p0, !p0;
	_ =	swait.ge @!p1 [sflag:s15], $0x2000  }
0x1c: {  	s12 =	smov.u32 s9;
	[sflag:s15] =	ssyncset.done @!p1 $0x0;
	s9 =	smov.u32 s14  }
0x1d: {  	s11 =	sadd.s32 $0x1, s11;
	[sflag:s15] =	ssyncadd.s32 @!p1 $0xFFFFE000;
	s10 =	smov.u32 s16  }
.LBB1_1:
0x1e: {  	p1 =	sge.u32 s11, s5  }
0x1f: {  	s14 =	sand.u32 @!p1 $0x1FFFFFF, s9  }
0x20: {  	s15 =	smulhi.u32 @!p1 $0x147AE15, s14;
	_ =	sdelay $0x1  }
0x21: {  	s15 =	smul.u32 @!p1 $0xC8, s15  }
0x22: {  	s16 =	sxor.u32 @!p1 $0xFFFFFFFF, s11;
	s17 =	smul.u32 @!p1 $0xC80, s10  }
0x23: {  	s31 =	sadd.s32 $0xFFFFFFFF, s11;
	s16 =	sshll.u32 @!p1 s16, $0xD;
	s14 =	ssub.s32 @!p1 s14, s15  }
0x24: {  	s15 =	sand.u32 @!p1 $0x2000, s16;
	s16 =	sadd.s32 @!p1 s6, s17;
	s14 =	sshll.u32 @!p1 s14, $0x4  }
0x25: {  	s17 =	simm.s32 @!p1 $0x6400;
	s14 =	sadd.s32 @!p1 s14, s16;
	s16 =	simm.s32 @!p1 $0x40  }
0x26: {  	[tilespmem:s15], [sflag:$0x1] =	stream.strided.gather @!p1 [hbm4b:s14+s16], $0x2000, s17, s16, $0x38;
	[tilespmem:$0x8080] =	vst v63  }
0x27: {  	p1 =	sge.u32 s31, s5  }
.Ltmp2:
0x28: {  	_ = 	snop;
	(pc) =	sbr.rel @p1 .LBB1_5-.Ltmp2, $1  }
0x29: {  	_ =	sdelay $0x3  }
0x2a: {  	s14 =	simm.s32 $0x1  }
0x2b: {  	_ =	swait.ge [sflag:s4], $0x2000;
	s14 =	simm.s32 @!p0 $0x0  }
0x2c: {  	[sflag:s4] =	ssyncset.done $0x0;
	s15 =	sshll.u32 s14, $0xD  }
0x2d: {  	[sflag:s4] =	ssyncadd.s32 $0xFFFFE000;
	s18 =	sor.u32 $0x20, s15  }
0x2e: {  	s14 =	smul.u32 $0x8100, s14;
	v3 =	vld [tilespmem:s18+$0x10]  }
0x2f: {  	s30 =	sand.u32 $0x1, s11;
	v2 =	vld [tilespmem:s18+$0xFFFFFFF0]  }
0x30: {  	s15 =	smul.u32 $0x8100, s30;
	s14 =	sshrl.u32 s14, $0x2;
	v0 =	vld [tilespmem:s18+$0x0]  }
0x31: {  	v1 =	vld [tilespmem:s18+$0xFFFFFFE0];
	s16 =	sor.u32 $0x4000, s14  }
0x32: {  	s31 =	sshrl.u32 s15, $0x2;
	s15 =	sadd.s32 $0x0, s16  }
0x33: {  	s17 =	simm.s32 $0x4;
	s18 =	sadd.s32 $0x40, s18;
	s14 =	sor.u32 $0x4000, s31;
	[tilespmem:s15+$0x1830 ss:$0x81] =	vst.msk $0xffff, v3  }
.LBB1_3:
0x34: {  	v3 =	vld [tilespmem:s18+$0x10];
	p1 =	sne.s32 s17, $0x1FC;
	[tilespmem:s15+$0x810 ss:$0x81] =	vst.msk $0xffff, v2;
	s19 =	smov.u32 s17;
	s17 =	sadd.s32 $0x4, s17  }
.Ltmp3:
0x35: {  	v2 =	vld [tilespmem:s18+$0xFFFFFFF0];
	[tilespmem:s15+$0x1020 ss:$0x81] =	vst.msk $0xffff, v0;
	(pc) =	sbr.rel @p1 .LBB1_3-.Ltmp3, $4  }
0x36: {  	v0 =	vld [tilespmem:s18+$0x0];
	[tilespmem:s15+$0x0 ss:$0x81] =	vst.msk $0xffff, v1  }
0x37: {  	s15 =	sshra.s32 s19, $0x2;
	v1 =	vld [tilespmem:s18+$0xFFFFFFE0]  }
0x38: {  	s15 =	sadd.s32 s15, s16  }
0x39: {  	s18 =	sadd.s32 $0x40, s18;
	[tilespmem:s15+$0x1830 ss:$0x81] =	vst.msk $0xffff, v3  }
.Ltmp4:
0x3a: {  	_ = 	snop;
	(pc) =	sbr.rel .LBB1_4-.Ltmp4, $1  }
0x3b: {  	_ =	sdelay $0x3  }
.LBB1_6:
0x3c: {  	_ =	sfence.sel $0x180000  }
0x3d: {  	s2 =	simm.s32 $0x1;
	[bflag:$0x0] =	sbarrier.arrive $0xFFFF  }
0x3e: {  	s31 =	simm.s32 $0x2;
	[sflag:s2] =	ssyncpa.u1 $0x1  }
0x3f: {  	[sflag:s31] =	ssyncpa.u1 $0x1  }
0x40: {  	p0 =	sne.s32 s0, $0x0;
	_ =	strace $0x9000004D  }
0x41: {  	s0 =	sadd.s32 @!p0 $0x100000, s1;
	[bflag:$0x2] =	sbarrier.arrive $0xFFFF  }
0x42: {  	[sflag:s0] =	ssyncadd.tile.s32 @!p0 $0x1;
	_ =	shalt  }
.Lfunc_end1:
_tile_overlayer_lowered:
.L_overlay_start_2:
0x43: {  	(tag) =	ssettag $0x2  }
0x44: {  	s0 =	rddreg [dreg:$0x0];
	s2 =	stileid.u32  }
0x45: {  	s1 =	rddreg [dreg:$0x1];
	p0 =	sne.s32 s2, $0x0  }
0x46: {  	s3 =	rddreg [dreg:$0x2];
	[bflag:$0x3] =	sbarrier.arrive $0xFFFF;
	s2 =	simm.s32 @!p0 $0x1C01  }
0x47: {  	[timem:s3], [sflag:s2] =	dma.local @!p0 [hbm:s0], s1  }
0x48: {  	s0 =	simm.s32 @!p0 $0x1  }
0x49: {  	_ =	swait.ge @!p0 [sflag:s0], s1  }
0x4a: {  	s1 =	ssub.s32 @!p0 $0x0, s1;
	[sflag:s0] =	ssyncset.done @!p0 $0x0  }
0x4b: {  	[sflag:s0] =	ssyncadd.s32 @!p0 s1  }
0x4c: {  	[bflag:$0x3] =	sbarrier.arrive $0xFFFF  }
0x4d: {  	_ =	shalt  }

</sc_bundles>
